<compile_context>
chip_gen: v7x
topology: tpu7x:2x2x1
jax: 0.10.2.dev20260603
libtpu: 0.0.44.dev20260713+nightly
codegen_flags: <defaults>
</compile_context>

<pallas_src>
import functools

import jax
import jax.numpy as jnp
from jax import lax
from jax.experimental import pallas as pl
from jax.experimental.pallas import tpu as pltpu
from jax.experimental.pallas import tpu_sc as plsc

T = 2048
D = 768
E = 8
H = 2 * D
BT = 256
MAXT = 24
P = MAXT * BT
NW = 32
EPS = 1e-5


def _router_body(x_ref, wg_ref, pab_ref, wa_ref, wb_ref, ept_ref,
                 oh1_s, oh2_s, ex1_s, ex2_s):
    xv = x_ref[...]
    logits = jnp.dot(xv, wg_ref[...], preferred_element_type=jnp.float32)
    m = jnp.max(logits, axis=-1, keepdims=True)
    p = jnp.exp(logits - m)
    g = p / jnp.sum(p, axis=-1, keepdims=True)

    iota_e = lax.broadcasted_iota(jnp.int32, (T, E), 1)
    w1 = jnp.max(g, axis=-1, keepdims=True)
    idx1 = jnp.min(jnp.where(g == w1, iota_e, E), axis=-1, keepdims=True)
    oh1 = (iota_e == idx1)
    g2 = jnp.where(oh1, -1.0, g)
    w2 = jnp.max(g2, axis=-1, keepdims=True)
    idx2 = jnp.min(jnp.where(g2 == w2, iota_e, E), axis=-1, keepdims=True)
    oh2 = (iota_e == idx2)
    s = w1 + w2
    wa = w1 / s
    wb = w2 / s

    oh1f = oh1.astype(jnp.float32)
    oh2f = oh2.astype(jnp.float32)
    oh1_s[...] = oh1f
    oh2_s[...] = oh2f
    ch = 128
    rr = lax.broadcasted_iota(jnp.int32, (ch, ch), 0)
    cc = lax.broadcasted_iota(jnp.int32, (ch, ch), 1)
    s128 = (rr > cc).astype(jnp.float32)

    def cs_body(j, carry):
        ca, cb = carry
        a = oh1_s[pl.ds(j * ch, ch), :]
        b = oh2_s[pl.ds(j * ch, ch), :]
        ex1_s[pl.ds(j * ch, ch), :] = (
            jnp.dot(s128, a, preferred_element_type=jnp.float32) + ca)
        ex2_s[pl.ds(j * ch, ch), :] = (
            jnp.dot(s128, b, preferred_element_type=jnp.float32) + cb)
        return (ca + jnp.sum(a, axis=0, keepdims=True),
                cb + jnp.sum(b, axis=0, keepdims=True))

    c1, c2 = lax.fori_loop(
        0, T // ch, cs_body,
        (jnp.zeros((1, E), jnp.float32), jnp.zeros((1, E), jnp.float32)))
    excl1 = ex1_s[...]
    excl2 = ex2_s[...]
    counts = c1 + c2
    padc = jnp.ceil(counts / BT) * BT
    ke = lax.broadcasted_iota(jnp.int32, (E, E), 0)
    ee = lax.broadcasted_iota(jnp.int32, (E, E), 1)
    m8 = (ke < ee).astype(jnp.float32)
    base = jnp.dot(padc, m8, preferred_element_type=jnp.float32)

    rank1 = jnp.sum(excl1 * oh1f, axis=-1, keepdims=True)
    rank2 = jnp.sum((excl2 + c1) * oh2f, axis=-1, keepdims=True)
    pos1 = jnp.sum(base * oh1f, axis=-1, keepdims=True) + rank1
    pos2 = jnp.sum(base * oh2f, axis=-1, keepdims=True) + rank2

    pab_ref[pl.ds(0, T)] = pos1.astype(jnp.int32).reshape(T)
    pab_ref[pl.ds(T, T)] = pos2.astype(jnp.int32).reshape(T)
    ones = jnp.ones((1, E), jnp.float32)
    wa_ref[...] = wa * ones
    wb_ref[...] = wb * ones

    tstart = (lax.broadcasted_iota(jnp.int32, (MAXT, E), 0) * BT).astype(jnp.float32)
    eid = lax.broadcasted_iota(jnp.int32, (MAXT, E), 1)
    ind = (tstart >= base) & (tstart < base + padc)
    ept_ref[...] = jnp.sum(jnp.where(ind, eid + 1, 0), axis=-1).astype(jnp.int32) - 1


def _router(xf, wg):
    return pl.pallas_call(
        _router_body,
        out_shape=(
            jax.ShapeDtypeStruct((2 * T,), jnp.int32),
            jax.ShapeDtypeStruct((T, E), jnp.float32),
            jax.ShapeDtypeStruct((T, E), jnp.float32),
            jax.ShapeDtypeStruct((MAXT,), jnp.int32),
        ),
        scratch_shapes=[
            pltpu.VMEM((T, E), jnp.float32),
            pltpu.VMEM((T, E), jnp.float32),
            pltpu.VMEM((T, E), jnp.float32),
            pltpu.VMEM((T, E), jnp.float32),
        ],
    )(xf, wg)


def _sc_mesh():
    return plsc.VectorSubcoreMesh(core_axis_name="c", subcore_axis_name="s")


def _dispatch_gather(xf, pab):
    b_per_w = P // NW
    chunk = 64
    nch = b_per_w // chunk

    @functools.partial(
        pl.kernel,
        mesh=_sc_mesh(),
        out_type=jax.ShapeDtypeStruct((P, D), jnp.float32),
        scratch_types=[
            pltpu.VMEM((2 * T,), jnp.int32),
            pltpu.VMEM((b_per_w,), jnp.int32),
            pltpu.VMEM((chunk, D), jnp.float32),
            pltpu.VMEM((chunk, D), jnp.float32),
            pltpu.SemaphoreType.DMA,
            pltpu.SemaphoreType.DMA,
        ],
        compiler_params=pltpu.CompilerParams(needs_layout_passes=False),
        name="sc_dispatch_gather",
    )
    def k(x_hbm, pab_hbm, xs_hbm, pos_v, tok_v, rows0, rows1, s0, s1):
        wid = lax.axis_index("s") * 2 + lax.axis_index("c")
        base = wid * b_per_w
        pltpu.sync_copy(pab_hbm, pos_v)
        lane = lax.iota(jnp.int32, 16)

        def init(j, carry):
            tok_v[pl.ds(j * 16, 16)] = (base + j * 16 + lane) & (T - 1)
            return carry

        lax.fori_loop(0, b_per_w // 16, init, 0)

        def scan(i, carry):
            p16 = pos_v[pl.ds(i * 16, 16)]
            rel = p16 - base
            msk = (rel >= 0) & (rel < b_per_w)
            t16 = (i * 16 + lane) & (T - 1)
            plsc.store_scatter(tok_v, [jnp.where(msk, rel, 0)], t16, mask=msk)
            return carry

        lax.fori_loop(0, (2 * T) // 16, scan, 0)

        bufs, sems = (rows0, rows1), (s0, s1)
        cps = [None] * nch
        for j in range(nch):
            b = j % 2
            if j >= 2:
                cps[j - 2].wait()
                pltpu.sync_copy(bufs[b],
                                xs_hbm.at[pl.ds(base + (j - 2) * chunk, chunk)])
            cps[j] = pltpu.async_copy(
                x_hbm.at[tok_v.at[pl.ds(j * chunk, chunk)]], bufs[b], sems[b])
        for j in range(max(nch - 2, 0), nch):
            cps[j].wait()
            pltpu.sync_copy(bufs[j % 2],
                            xs_hbm.at[pl.ds(base + j * chunk, chunk)])

    return k(xf, pab)


def _sc_gather(table, idx, nrows, chunk):
    b_per_w = nrows // NW
    nch = b_per_w // chunk
    dm = table.shape[1]
    dt = table.dtype

    @functools.partial(
        pl.kernel,
        mesh=_sc_mesh(),
        out_type=jax.ShapeDtypeStruct((nrows, dm), dt),
        scratch_types=[
            pltpu.VMEM((b_per_w,), jnp.int32),
            pltpu.VMEM((chunk, dm), dt),
            pltpu.VMEM((chunk, dm), dt),
            pltpu.SemaphoreType.DMA,
            pltpu.SemaphoreType.DMA,
        ],
        name=f"sc_gather{nrows}",
    )
    def k(table_hbm, idx_hbm, out_hbm, idx_v, rows0, rows1, s0, s1):
        wid = lax.axis_index("s") * 2 + lax.axis_index("c")
        base = wid * b_per_w
        pltpu.sync_copy(idx_hbm.at[pl.ds(base, b_per_w)], idx_v)

        bufs, sems = (rows0, rows1), (s0, s1)
        cps = [None] * nch
        for j in range(nch):
            b = j % 2
            if j >= 2:
                cps[j - 2].wait()
                pltpu.sync_copy(bufs[b],
                                out_hbm.at[pl.ds(base + (j - 2) * chunk, chunk)])
            cps[j] = pltpu.async_copy(
                table_hbm.at[idx_v.at[pl.ds(j * chunk, chunk)]], bufs[b],
                sems[b])
        for j in range(max(nch - 2, 0), nch):
            cps[j].wait()
            pltpu.sync_copy(bufs[j % 2],
                            out_hbm.at[pl.ds(base + j * chunk, chunk)])

    return k(table, idx)


def _ffn_body(ept_ref, xs_ref, w1_ref, b1_ref, g1_ref, be1_ref, w2_ref,
              b2_ref, ys_ref):
    e = ept_ref[pl.program_id(0)]

    @pl.when(e >= 0)
    def _():
        h = jnp.dot(xs_ref[...].astype(jnp.bfloat16),
                    w1_ref[0].astype(jnp.bfloat16),
                    preferred_element_type=jnp.float32)
        h = h + b1_ref[0]
        mu = jnp.mean(h, axis=-1, keepdims=True)
        var = jnp.mean((h - mu) ** 2, axis=-1, keepdims=True)
        h = (h - mu) * lax.rsqrt(var + EPS) * g1_ref[0] + be1_ref[0]
        h = 0.5 * h * (1.0 + lax.erf(h * (2.0 ** -0.5)))
        y = jnp.dot(h.astype(jnp.bfloat16), w2_ref[0].astype(jnp.bfloat16),
                    preferred_element_type=jnp.float32)
        ys_ref[...] = y + b2_ref[0]


def _grouped_ffn(ept, xs, w1, b1, g1, be1, w2, b2):
    def clamp(ep, i):
        v = ep[i]
        return jnp.where(v < 0, E - 1, v)

    grid_spec = pltpu.PrefetchScalarGridSpec(
        num_scalar_prefetch=1,
        grid=(MAXT,),
        in_specs=[
            pl.BlockSpec((BT, D), lambda i, ep: (i, 0)),
            pl.BlockSpec((1, D, H), lambda i, ep: (clamp(ep, i), 0, 0)),
            pl.BlockSpec((1, 1, H), lambda i, ep: (clamp(ep, i), 0, 0)),
            pl.BlockSpec((1, 1, H), lambda i, ep: (clamp(ep, i), 0, 0)),
            pl.BlockSpec((1, 1, H), lambda i, ep: (clamp(ep, i), 0, 0)),
            pl.BlockSpec((1, H, D), lambda i, ep: (clamp(ep, i), 0, 0)),
            pl.BlockSpec((1, 1, D), lambda i, ep: (clamp(ep, i), 0, 0)),
        ],
        out_specs=pl.BlockSpec((BT, D), lambda i, ep: (i, 0)),
    )
    return pl.pallas_call(
        _ffn_body,
        grid_spec=grid_spec,
        out_shape=jax.ShapeDtypeStruct((P, D), jnp.float32),
    )(ept, xs, w1, b1.reshape(E, 1, H), g1.reshape(E, 1, H),
      be1.reshape(E, 1, H), w2, b2.reshape(E, 1, D))


def _combine_body(x_ref, ga_ref, gb_ref, wa_ref, wb_ref, gf_ref, bf_ref, o_ref):
    comb = (x_ref[...]
            + wa_ref[:, 0:1] * ga_ref[...]
            + wb_ref[:, 0:1] * gb_ref[...])
    mu = jnp.mean(comb, axis=-1, keepdims=True)
    var = jnp.mean((comb - mu) ** 2, axis=-1, keepdims=True)
    o_ref[...] = (comb - mu) * lax.rsqrt(var + EPS) * gf_ref[...] + bf_ref[...]


def _combine(xf, gath, wa, wb, gf, bf):
    nblk = T // BT
    return pl.pallas_call(
        _combine_body,
        grid=(nblk,),
        in_specs=[
            pl.BlockSpec((BT, D), lambda i: (i, 0)),
            pl.BlockSpec((BT, D), lambda i: (i, 0)),
            pl.BlockSpec((BT, D), lambda i: (i + nblk, 0)),
            pl.BlockSpec((BT, E), lambda i: (i, 0)),
            pl.BlockSpec((BT, E), lambda i: (i, 0)),
            pl.BlockSpec((1, D), lambda i: (0, 0)),
            pl.BlockSpec((1, D), lambda i: (0, 0)),
        ],
        out_specs=pl.BlockSpec((BT, D), lambda i: (i, 0)),
        out_shape=jax.ShapeDtypeStruct((T, D), jnp.float32),
    )(xf, gath, gath, wa, wb, gf, bf)


def kernel(x, Wg, W1, b1, g1, be1, W2, b2, gf, bf):
    orig_shape = x.shape
    xf = x.reshape(T, D)
    pab, wa, wb, ept = _router(xf, Wg)
    xs = _dispatch_gather(xf, pab)
    ys = _grouped_ffn(ept, xs, W1, b1, g1, be1, W2, b2)
    gath = _sc_gather(ys, pab, 2 * T, 64)
    out = _combine(xf, gath, wa, wb, gf.reshape(1, D), bf.reshape(1, D))
    return out.reshape(orig_shape)

# --- scband reference (transcript-rebuilt; emitter-appended) ---
"""Pipeline reference for scband-sparse-mo-e-52596169507136 (READ-ONLY COPY).

The authoritative reference and input builder live on the scoring server;
editing this copy changes nothing except your own understanding.
"""

import jax, jax.numpy as jnp
import numpy as np

D = 768
E = 8
TOP_K = 2
H = 2 * D


def _layernorm(x, g, b, eps=1e-5):
    m = jnp.mean(x, axis=-1, keepdims=True)
    v = jnp.mean((x - m) ** 2, axis=-1, keepdims=True)
    return (x - m) / jnp.sqrt(v + eps) * g + b


def setup_inputs(seed: int = 0) -> dict:
    key = jax.random.key(seed)
    ks = jax.random.split(key, 8)
    x = jax.random.normal(ks[0], (1, 2048, D), dtype=jnp.float32)
    Wg = 0.02 * jax.random.normal(ks[1], (D, E), dtype=jnp.float32)
    W1 = 0.02 * jax.random.normal(ks[2], (E, D, H), dtype=jnp.float32)
    b1 = jnp.zeros((E, H), dtype=jnp.float32)
    g1 = jnp.ones((E, H), dtype=jnp.float32)
    be1 = jnp.zeros((E, H), dtype=jnp.float32)
    W2 = 0.02 * jax.random.normal(ks[3], (E, H, D), dtype=jnp.float32)
    b2 = jnp.zeros((E, D), dtype=jnp.float32)
    gf = jnp.ones((D,), dtype=jnp.float32)
    bf = jnp.zeros((D,), dtype=jnp.float32)
    return {"x": x, "Wg": Wg, "W1": W1, "b1": b1, "g1": g1, "be1": be1,
            "W2": W2, "b2": b2, "gf": gf, "bf": bf}


def reference(x, Wg, W1, b1, g1, be1, W2, b2, gf, bf):
    original_shape = x.shape
    xf = x.reshape(-1, original_shape[-1])
    residual = xf
    gates = jax.nn.softmax(xf @ Wg, axis=-1)
    topk_weights, topk_indices = jax.lax.top_k(gates, TOP_K)
    topk_weights = topk_weights / jnp.sum(topk_weights, axis=-1, keepdims=True)
    out = jnp.zeros_like(xf)
    for e in range(E):
        h = xf @ W1[e] + b1[e]
        h = _layernorm(h, g1[e], be1[e])
        h = jax.nn.gelu(h, approximate=False)
        y = h @ W2[e] + b2[e]
        # per-token combined weight for expert e (topk indices are distinct per token)
        w = jnp.sum(jnp.where(topk_indices == e, topk_weights, 0.0), axis=-1, keepdims=True)
        out = out + w * y
    out = _layernorm(out + residual, gf, bf)
    return out.reshape(original_shape)

if __name__ == "__main__":
    import jax
    _d = setup_inputs()
    print(jax.jit(kernel)(*tuple(_d.values())))

</pallas_src>

<mosaic_0001>
#map = affine_map<(d0, d1) -> (0, 0)>
#map1 = affine_map<(d0, d1) -> (0)>
module attributes {stable_mosaic.version = 14 : i64} {
  func.func @sc_gather4096(%arg0: i32, %arg1: i32, %arg2: memref<6144x768xf32, #tpu.memory_space<hbm>>, %arg3: memref<4096xi32, #tpu.memory_space<hbm>>, %arg4: memref<4096x768xf32, #tpu.memory_space<hbm>>, %arg5: memref<128xi32, #tpu.memory_space<vmem>>, %arg6: memref<64x768xf32, #tpu.memory_space<vmem>>, %arg7: memref<64x768xf32, #tpu.memory_space<vmem>>, %arg8: memref<!tpu.dma_semaphore, #tpu.memory_space<semaphore_mem>>, %arg9: memref<!tpu.dma_semaphore, #tpu.memory_space<semaphore_mem>>) attributes {dimension_semantics = [#tpu.dimension_semantics<core_parallel>, #tpu.dimension_semantics<subcore_parallel>], iteration_bounds = array<i64: 2, 16>, scalar_prefetch = 0 : i64, scratch_operands = 5 : i64, tpu.core_type = #tpu.core_type<sc_vector_subcore>, window_params = [{transform_indices = #map}, {transform_indices = #map1}, {transform_indices = #map}]} {
    %mul3A = arith.constant 2 : i32
    %mul3A_0 = arith.muli %arg1, %mul3A : i32
    %add3A = arith.addi %mul3A_0, %arg0 : i32
    %mul3A_1 = arith.constant 128 : i32
    %mul3A_2 = arith.muli %add3A, %mul3A_1 : i32
    "tpu.region"() ({
      %run_scoped3A = tpu.sem_alloc : memref<!tpu.dma_semaphore, #tpu.memory_space<semaphore_mem>>
      %dma_start3A_25 = tpu.memref_slice %arg3[%mul3A_2] : memref<4096xi32, #tpu.memory_space<hbm>> -> memref<128xi32, #tpu.memory_space<hbm>>
      %dma_start3A_26 = tpu.memref_slice %arg3[%mul3A_2] : memref<4096xi32, #tpu.memory_space<hbm>> -> memref<128xi32, #tpu.memory_space<hbm>>
      tpu.enqueue_dma source(%dma_start3A_26 : memref<128xi32, #tpu.memory_space<hbm>>) target(%arg5 : memref<128xi32, #tpu.memory_space<vmem>>) target_semaphore(%run_scoped3A : memref<!tpu.dma_semaphore, #tpu.memory_space<semaphore_mem>>)
      %dma_wait3A_27 = tpu.memref_slice %arg3[%mul3A_2] : memref<4096xi32, #tpu.memory_space<hbm>> -> memref<128xi32, #tpu.memory_space<hbm>>
      %dma_wait3A_28 = tpu.memref_slice %arg3[%mul3A_2] : memref<4096xi32, #tpu.memory_space<hbm>> -> memref<128xi32, #tpu.memory_space<hbm>>
      tpu.wait_dma2 semaphore(%run_scoped3A : memref<!tpu.dma_semaphore, #tpu.memory_space<semaphore_mem>>) src(%dma_wait3A_28 : memref<128xi32, #tpu.memory_space<hbm>>) dst(%arg5 : memref<128xi32, #tpu.memory_space<vmem>>)
      tpu.yield
    }) : () -> ()
    %dma_start3A = arith.constant 0 : i32
    %dma_start3A_3 = tpu.memref_slice %arg5[%dma_start3A] : memref<128xi32, #tpu.memory_space<vmem>> -> memref<64xi32, #tpu.memory_space<vmem>>
    %dma_start3A_4 = arith.constant 0 : i32
    %dma_start3A_5 = arith.constant 0 : i32
    %dma_start3A_6 = tpu.memref_slice %arg2[%dma_start3A_4, %dma_start3A_5] : memref<6144x768xf32, #tpu.memory_space<hbm>> -> memref<6144x768xf32, #tpu.memory_space<hbm>>
    tpu.enqueue_indirect_dma source(%dma_start3A_6 : memref<6144x768xf32, #tpu.memory_space<hbm>>) target(%arg6 : memref<64x768xf32, #tpu.memory_space<vmem>>) offsets(%dma_start3A_3 : memref<64xi32, #tpu.memory_space<vmem>>) semaphore(%arg8 : memref<!tpu.dma_semaphore, #tpu.memory_space<semaphore_mem>>)
    %dma_start3A_7 = arith.constant 64 : i32
    %dma_start3A_8 = tpu.memref_slice %arg5[%dma_start3A_7] : memref<128xi32, #tpu.memory_space<vmem>> -> memref<64xi32, #tpu.memory_space<vmem>>
    %dma_start3A_9 = arith.constant 0 : i32
    %dma_start3A_10 = arith.constant 0 : i32
    %dma_start3A_11 = tpu.memref_slice %arg2[%dma_start3A_9, %dma_start3A_10] : memref<6144x768xf32, #tpu.memory_space<hbm>> -> memref<6144x768xf32, #tpu.memory_space<hbm>>
    tpu.enqueue_indirect_dma source(%dma_start3A_11 : memref<6144x768xf32, #tpu.memory_space<hbm>>) target(%arg7 : memref<64x768xf32, #tpu.memory_space<vmem>>) offsets(%dma_start3A_8 : memref<64xi32, #tpu.memory_space<vmem>>) semaphore(%arg9 : memref<!tpu.dma_semaphore, #tpu.memory_space<semaphore_mem>>)
    %dma_wait3A = arith.constant 0 : i32
    %dma_wait3A_12 = tpu.memref_slice %arg5[%dma_wait3A] : memref<128xi32, #tpu.memory_space<vmem>> -> memref<64xi32, #tpu.memory_space<vmem>>
    %dma_wait3A_13 = arith.constant 0 : i32
    %dma_wait3A_14 = arith.constant 0 : i32
    %dma_wait3A_15 = tpu.memref_slice %arg2[%dma_wait3A_13, %dma_wait3A_14] : memref<6144x768xf32, #tpu.memory_space<hbm>> -> memref<6144x768xf32, #tpu.memory_space<hbm>>
    tpu.wait_indirect_dma semaphore(%arg8 : memref<!tpu.dma_semaphore, #tpu.memory_space<semaphore_mem>>) src(%dma_wait3A_15 : memref<6144x768xf32, #tpu.memory_space<hbm>>) dst(%arg6 : memref<64x768xf32, #tpu.memory_space<vmem>>)
    %add3A_16 = arith.constant 0 : i32
    %add3A_17 = arith.addi %mul3A_2, %add3A_16 : i32
    "tpu.region"() ({
      %run_scoped3A = tpu.sem_alloc : memref<!tpu.dma_semaphore, #tpu.memory_space<semaphore_mem>>
      %dma_start3A_25 = arith.constant 0 : i32
      %dma_start3A_26 = tpu.memref_slice %arg4[%add3A_17, %dma_start3A_25] : memref<4096x768xf32, #tpu.memory_space<hbm>> -> memref<64x768xf32, #tpu.memory_space<hbm>>
      %dma_start3A_27 = arith.constant 0 : i32
      %dma_start3A_28 = tpu.memref_slice %arg4[%add3A_17, %dma_start3A_27] : memref<4096x768xf32, #tpu.memory_space<hbm>> -> memref<64x768xf32, #tpu.memory_space<hbm>>
      tpu.enqueue_dma source(%arg6 : memref<64x768xf32, #tpu.memory_space<vmem>>) target(%dma_start3A_28 : memref<64x768xf32, #tpu.memory_space<hbm>>) target_semaphore(%run_scoped3A : memref<!tpu.dma_semaphore, #tpu.memory_space<semaphore_mem>>)
      %dma_wait3A_29 = arith.constant 0 : i32
      %dma_wait3A_30 = tpu.memref_slice %arg4[%add3A_17, %dma_wait3A_29] : memref<4096x768xf32, #tpu.memory_space<hbm>> -> memref<64x768xf32, #tpu.memory_space<hbm>>
      %dma_wait3A_31 = arith.constant 0 : i32
      %dma_wait3A_32 = tpu.memref_slice %arg4[%add3A_17, %dma_wait3A_31] : memref<4096x768xf32, #tpu.memory_space<hbm>> -> memref<64x768xf32, #tpu.memory_space<hbm>>
      tpu.wait_dma2 semaphore(%run_scoped3A : memref<!tpu.dma_semaphore, #tpu.memory_space<semaphore_mem>>) src(%arg6 : memref<64x768xf32, #tpu.memory_space<vmem>>) dst(%dma_wait3A_32 : memref<64x768xf32, #tpu.memory_space<hbm>>)
      tpu.yield
    }) : () -> ()
    %dma_wait3A_18 = arith.constant 64 : i32
    %dma_wait3A_19 = tpu.memref_slice %arg5[%dma_wait3A_18] : memref<128xi32, #tpu.memory_space<vmem>> -> memref<64xi32, #tpu.memory_space<vmem>>
    %dma_wait3A_20 = arith.constant 0 : i32
    %dma_wait3A_21 = arith.constant 0 : i32
    %dma_wait3A_22 = tpu.memref_slice %arg2[%dma_wait3A_20, %dma_wait3A_21] : memref<6144x768xf32, #tpu.memory_space<hbm>> -> memref<6144x768xf32, #tpu.memory_space<hbm>>
    tpu.wait_indirect_dma semaphore(%arg9 : memref<!tpu.dma_semaphore, #tpu.memory_space<semaphore_mem>>) src(%dma_wait3A_22 : memref<6144x768xf32, #tpu.memory_space<hbm>>) dst(%arg7 : memref<64x768xf32, #tpu.memory_space<vmem>>)
    %add3A_23 = arith.constant 64 : i32
    %add3A_24 = arith.addi %mul3A_2, %add3A_23 : i32
    "tpu.region"() ({
      %run_scoped3A = tpu.sem_alloc : memref<!tpu.dma_semaphore, #tpu.memory_space<semaphore_mem>>
      %dma_start3A_25 = arith.constant 0 : i32
      %dma_start3A_26 = tpu.memref_slice %arg4[%add3A_24, %dma_start3A_25] : memref<4096x768xf32, #tpu.memory_space<hbm>> -> memref<64x768xf32, #tpu.memory_space<hbm>>
      %dma_start3A_27 = arith.constant 0 : i32
      %dma_start3A_28 = tpu.memref_slice %arg4[%add3A_24, %dma_start3A_27] : memref<4096x768xf32, #tpu.memory_space<hbm>> -> memref<64x768xf32, #tpu.memory_space<hbm>>
      tpu.enqueue_dma source(%arg7 : memref<64x768xf32, #tpu.memory_space<vmem>>) target(%dma_start3A_28 : memref<64x768xf32, #tpu.memory_space<hbm>>) target_semaphore(%run_scoped3A : memref<!tpu.dma_semaphore, #tpu.memory_space<semaphore_mem>>)
      %dma_wait3A_29 = arith.constant 0 : i32
      %dma_wait3A_30 = tpu.memref_slice %arg4[%add3A_24, %dma_wait3A_29] : memref<4096x768xf32, #tpu.memory_space<hbm>> -> memref<64x768xf32, #tpu.memory_space<hbm>>
      %dma_wait3A_31 = arith.constant 0 : i32
      %dma_wait3A_32 = tpu.memref_slice %arg4[%add3A_24, %dma_wait3A_31] : memref<4096x768xf32, #tpu.memory_space<hbm>> -> memref<64x768xf32, #tpu.memory_space<hbm>>
      tpu.wait_dma2 semaphore(%run_scoped3A : memref<!tpu.dma_semaphore, #tpu.memory_space<semaphore_mem>>) src(%arg7 : memref<64x768xf32, #tpu.memory_space<vmem>>) dst(%dma_wait3A_32 : memref<64x768xf32, #tpu.memory_space<hbm>>)
      tpu.yield
    }) : () -> ()
    return
  }
}

#map = affine_map<(d0, d1) -> (0, 0)>
#map1 = affine_map<(d0, d1) -> (0)>
module attributes {stable_mosaic.version = 14 : i64} {
  func.func @sc_dispatch_gather(%arg0: i32, %arg1: i32, %arg2: memref<2048x768xf32, #tpu.memory_space<hbm>>, %arg3: memref<4096xi32, #tpu.memory_space<hbm>>, %arg4: memref<6144x768xf32, #tpu.memory_space<hbm>>, %arg5: memref<4096xi32, #tpu.memory_space<vmem>>, %arg6: memref<192xi32, #tpu.memory_space<vmem>>, %arg7: memref<64x768xf32, #tpu.memory_space<vmem>>, %arg8: memref<64x768xf32, #tpu.memory_space<vmem>>, %arg9: memref<!tpu.dma_semaphore, #tpu.memory_space<semaphore_mem>>, %arg10: memref<!tpu.dma_semaphore, #tpu.memory_space<semaphore_mem>>) attributes {dimension_semantics = [#tpu.dimension_semantics<core_parallel>, #tpu.dimension_semantics<subcore_parallel>], iteration_bounds = array<i64: 2, 16>, scalar_prefetch = 0 : i64, scratch_operands = 6 : i64, tpu.core_type = #tpu.core_type<sc_vector_subcore>, window_params = [{transform_indices = #map}, {transform_indices = #map1}, {transform_indices = #map}]} {
    %mul3A = arith.constant 2 : i32
    %mul3A_0 = arith.muli %arg1, %mul3A : i32
    %add3A = arith.addi %mul3A_0, %arg0 : i32
    %mul3A_1 = arith.constant 192 : i32
    %mul3A_2 = arith.muli %add3A, %mul3A_1 : i32
    "tpu.region"() ({
      %run_scoped3A = tpu.sem_alloc : memref<!tpu.dma_semaphore, #tpu.memory_space<semaphore_mem>>
      tpu.enqueue_dma source(%arg3 : memref<4096xi32, #tpu.memory_space<hbm>>) target(%arg5 : memref<4096xi32, #tpu.memory_space<vmem>>) target_semaphore(%run_scoped3A : memref<!tpu.dma_semaphore, #tpu.memory_space<semaphore_mem>>)
      tpu.wait_dma2 semaphore(%run_scoped3A : memref<!tpu.dma_semaphore, #tpu.memory_space<semaphore_mem>>) src(%arg3 : memref<4096xi32, #tpu.memory_space<hbm>>) dst(%arg5 : memref<4096xi32, #tpu.memory_space<vmem>>)
      tpu.yield
    }) : () -> ()
    %iota3A = tpu.iota {dimensions = array<i32: 0>} : vector<16xi32>
    %scan3A = arith.constant 0 : i32
    %scan3A_3 = arith.constant 0 : i32
    %scan3A_4 = arith.constant 12 : i32
    %scan3A_5 = arith.addi %scan3A_3, %scan3A_4 : i32
    %scan3A_6 = arith.constant 1 : i32
    scf.for %scan3A_48 = %scan3A_3 to %scan3A_5 step %scan3A_6  : i32 {
      %mul3A_49 = arith.constant 16 : i32
      %mul3A_50 = arith.muli %scan3A_48, %mul3A_49 : i32
      %add3A_51 = arith.addi %mul3A_2, %mul3A_50 : i32
      %add3A_52 = vector.broadcast %add3A_51 : i32 to vector<16xi32>
      %add3A_53 = arith.addi %add3A_52, %iota3A : vector<16xi32>
      %and3A = arith.constant 2047 : i32
      %and3A_54 = vector.broadcast %and3A : i32 to vector<16xi32>
      %and3A_55 = arith.andi %add3A_53, %and3A_54 : vector<16xi32>
      %mul3A_56 = arith.constant 16 : i32
      %mul3A_57 = arith.muli %scan3A_48, %mul3A_56 : i32
      %swap3A = arith.index_cast %mul3A_57 : i32 to index
      %swap3A_58 = tpu.vector_load %arg6[%swap3A] {strides = array<i32>} : memref<192xi32, #tpu.memory_space<vmem>>, vector<16xi32>,
      tpu.vector_store %arg6[%swap3A], %and3A_55 {strides = array<i32>} : memref<192xi32, #tpu.memory_space<vmem>>, vector<16xi32>,
    }
    %scan3A_7 = arith.constant 12 : i32
    %scan3A_8 = arith.constant 0 : i32
    %scan3A_9 = arith.constant 0 : i32
    %scan3A_10 = arith.constant 256 : i32
    %scan3A_11 = arith.addi %scan3A_9, %scan3A_10 : i32
    %scan3A_12 = arith.constant 1 : i32
    scf.for %scan3A_48 = %scan3A_9 to %scan3A_11 step %scan3A_12  : i32 {
      %mul3A_49 = arith.constant 16 : i32
      %mul3A_50 = arith.muli %scan3A_48, %mul3A_49 : i32
      %get3A = arith.index_cast %mul3A_50 : i32 to index
      %get3A_51 = tpu.vector_load %arg5[%get3A] {strides = array<i32>} : memref<4096xi32, #tpu.memory_space<vmem>>, vector<16xi32>,
      %sub3A = vector.broadcast %mul3A_2 : i32 to vector<16xi32>
      %sub3A_52 = arith.subi %get3A_51, %sub3A : vector<16xi32>
      %ge3A = arith.constant 0 : i32
      %ge3A_53 = vector.broadcast %ge3A : i32 to vector<16xi32>
      %ge3A_54 = arith.cmpi sge, %sub3A_52, %ge3A_53 : vector<16xi32>
      %lt3A = arith.constant 192 : i32
      %lt3A_55 = vector.broadcast %lt3A : i32 to vector<16xi32>
      %lt3A_56 = arith.cmpi slt, %sub3A_52, %lt3A_55 : vector<16xi32>
      %and3A = arith.andi %ge3A_54, %lt3A_56 : vector<16xi1>
      %mul3A_57 = arith.constant 16 : i32
      %mul3A_58 = arith.muli %scan3A_48, %mul3A_57 : i32
      %add3A_59 = vector.broadcast %mul3A_58 : i32 to vector<16xi32>
      %add3A_60 = arith.addi %add3A_59, %iota3A : vector<16xi32>
      %and3A_61 = arith.constant 2047 : i32
      %and3A_62 = vector.broadcast %and3A_61 : i32 to vector<16xi32>
      %and3A_63 = arith.andi %add3A_60, %and3A_62 : vector<16xi32>
      %jit3A = arith.constant 0 : i32
      %broadcast_in_dim3A = vector.broadcast %jit3A : i32 to vector<16xi32>
      %select_n3A = arith.select %and3A, %sub3A_52, %broadcast_in_dim3A : vector<16xi1>, vector<16xi32>
      tpu.vector_store_idx %arg6[%select_n3A], %and3A_63 masked %and3A : memref<192xi32, #tpu.memory_space<vmem>>[vector<16xi32>], vector<16xi32>, vector<16xi1>
    }
    %scan3A_13 = arith.constant 256 : i32
    %dma_start3A = arith.constant 0 : i32
    %dma_start3A_14 = tpu.memref_slice %arg6[%dma_start3A] : memref<192xi32, #tpu.memory_space<vmem>> -> memref<64xi32, #tpu.memory_space<vmem>>
    %dma_start3A_15 = arith.constant 0 : i32
    %dma_start3A_16 = arith.constant 0 : i32
    %dma_start3A_17 = tpu.memref_slice %arg2[%dma_start3A_15, %dma_start3A_16] : memref<2048x768xf32, #tpu.memory_space<hbm>> -> memref<2048x768xf32, #tpu.memory_space<hbm>>
    tpu.enqueue_indirect_dma source(%dma_start3A_17 : memref<2048x768xf32, #tpu.memory_space<hbm>>) target(%arg7 : memref<64x768xf32, #tpu.memory_space<vmem>>) offsets(%dma_start3A_14 : memref<64xi32, #tpu.memory_space<vmem>>) semaphore(%arg9 : memref<!tpu.dma_semaphore, #tpu.memory_space<semaphore_mem>>)
    %dma_start3A_18 = arith.constant 64 : i32
    %dma_start3A_19 = tpu.memref_slice %arg6[%dma_start3A_18] : memref<192xi32, #tpu.memory_space<vmem>> -> memref<64xi32, #tpu.memory_space<vmem>>
    %dma_start3A_20 = arith.constant 0 : i32
    %dma_start3A_21 = arith.constant 0 : i32
    %dma_start3A_22 = tpu.memref_slice %arg2[%dma_start3A_20, %dma_start3A_21] : memref<2048x768xf32, #tpu.memory_space<hbm>> -> memref<2048x768xf32, #tpu.memory_space<hbm>>
    tpu.enqueue_indirect_dma source(%dma_start3A_22 : memref<2048x768xf32, #tpu.memory_space<hbm>>) target(%arg8 : memref<64x768xf32, #tpu.memory_space<vmem>>) offsets(%dma_start3A_19 : memref<64xi32, #tpu.memory_space<vmem>>) semaphore(%arg10 : memref<!tpu.dma_semaphore, #tpu.memory_space<semaphore_mem>>)
    %dma_wait3A = arith.constant 0 : i32
    %dma_wait3A_23 = tpu.memref_slice %arg6[%dma_wait3A] : memref<192xi32, #tpu.memory_space<vmem>> -> memref<64xi32, #tpu.memory_space<vmem>>
    %dma_wait3A_24 = arith.constant 0 : i32
    %dma_wait3A_25 = arith.constant 0 : i32
    %dma_wait3A_26 = tpu.memref_slice %arg2[%dma_wait3A_24, %dma_wait3A_25] : memref<2048x768xf32, #tpu.memory_space<hbm>> -> memref<2048x768xf32, #tpu.memory_space<hbm>>
    tpu.wait_indirect_dma semaphore(%arg9 : memref<!tpu.dma_semaphore, #tpu.memory_space<semaphore_mem>>) src(%dma_wait3A_26 : memref<2048x768xf32, #tpu.memory_space<hbm>>) dst(%arg7 : memref<64x768xf32, #tpu.memory_space<vmem>>)
    %add3A_27 = arith.constant 0 : i32
    %add3A_28 = arith.addi %mul3A_2, %add3A_27 : i32
    "tpu.region"() ({
      %run_scoped3A = tpu.sem_alloc : memref<!tpu.dma_semaphore, #tpu.memory_space<semaphore_mem>>
      %dma_start3A_48 = arith.constant 0 : i32
      %dma_start3A_49 = tpu.memref_slice %arg4[%add3A_28, %dma_start3A_48] : memref<6144x768xf32, #tpu.memory_space<hbm>> -> memref<64x768xf32, #tpu.memory_space<hbm>>
      %dma_start3A_50 = arith.constant 0 : i32
      %dma_start3A_51 = tpu.memref_slice %arg4[%add3A_28, %dma_start3A_50] : memref<6144x768xf32, #tpu.memory_space<hbm>> -> memref<64x768xf32, #tpu.memory_space<hbm>>
      tpu.enqueue_dma source(%arg7 : memref<64x768xf32, #tpu.memory_space<vmem>>) target(%dma_start3A_51 : memref<64x768xf32, #tpu.memory_space<hbm>>) target_semaphore(%run_scoped3A : memref<!tpu.dma_semaphore, #tpu.memory_space<semaphore_mem>>)
      %dma_wait3A_52 = arith.constant 0 : i32
      %dma_wait3A_53 = tpu.memref_slice %arg4[%add3A_28, %dma_wait3A_52] : memref<6144x768xf32, #tpu.memory_space<hbm>> -> memref<64x768xf32, #tpu.memory_space<hbm>>
      %dma_wait3A_54 = arith.constant 0 : i32
      %dma_wait3A_55 = tpu.memref_slice %arg4[%add3A_28, %dma_wait3A_54] : memref<6144x768xf32, #tpu.memory_space<hbm>> -> memref<64x768xf32, #tpu.memory_space<hbm>>
      tpu.wait_dma2 semaphore(%run_scoped3A : memref<!tpu.dma_semaphore, #tpu.memory_space<semaphore_mem>>) src(%arg7 : memref<64x768xf32, #tpu.memory_space<vmem>>) dst(%dma_wait3A_55 : memref<64x768xf32, #tpu.memory_space<hbm>>)
      tpu.yield
    }) : () -> ()
    %dma_start3A_29 = arith.constant 128 : i32
    %dma_start3A_30 = tpu.memref_slice %arg6[%dma_start3A_29] : memref<192xi32, #tpu.memory_space<vmem>> -> memref<64xi32, #tpu.memory_space<vmem>>
    %dma_start3A_31 = arith.constant 0 : i32
    %dma_start3A_32 = arith.constant 0 : i32
    %dma_start3A_33 = tpu.memref_slice %arg2[%dma_start3A_31, %dma_start3A_32] : memref<2048x768xf32, #tpu.memory_space<hbm>> -> memref<2048x768xf32, #tpu.memory_space<hbm>>
    tpu.enqueue_indirect_dma source(%dma_start3A_33 : memref<2048x768xf32, #tpu.memory_space<hbm>>) target(%arg7 : memref<64x768xf32, #tpu.memory_space<vmem>>) offsets(%dma_start3A_30 : memref<64xi32, #tpu.memory_space<vmem>>) semaphore(%arg9 : memref<!tpu.dma_semaphore, #tpu.memory_space<semaphore_mem>>)
    %dma_wait3A_34 = arith.constant 64 : i32
    %dma_wait3A_35 = tpu.memref_slice %arg6[%dma_wait3A_34] : memref<192xi32, #tpu.memory_space<vmem>> -> memref<64xi32, #tpu.memory_space<vmem>>
    %dma_wait3A_36 = arith.constant 0 : i32
    %dma_wait3A_37 = arith.constant 0 : i32
    %dma_wait3A_38 = tpu.memref_slice %arg2[%dma_wait3A_36, %dma_wait3A_37] : memref<2048x768xf32, #tpu.memory_space<hbm>> -> memref<2048x768xf32, #tpu.memory_space<hbm>>
    tpu.wait_indirect_dma semaphore(%arg10 : memref<!tpu.dma_semaphore, #tpu.memory_space<semaphore_mem>>) src(%dma_wait3A_38 : memref<2048x768xf32, #tpu.memory_space<hbm>>) dst(%arg8 : memref<64x768xf32, #tpu.memory_space<vmem>>)
    %add3A_39 = arith.constant 64 : i32
    %add3A_40 = arith.addi %mul3A_2, %add3A_39 : i32
    "tpu.region"() ({
      %run_scoped3A = tpu.sem_alloc : memref<!tpu.dma_semaphore, #tpu.memory_space<semaphore_mem>>
      %dma_start3A_48 = arith.constant 0 : i32
      %dma_start3A_49 = tpu.memref_slice %arg4[%add3A_40, %dma_start3A_48] : memref<6144x768xf32, #tpu.memory_space<hbm>> -> memref<64x768xf32, #tpu.memory_space<hbm>>
      %dma_start3A_50 = arith.constant 0 : i32
      %dma_start3A_51 = tpu.memref_slice %arg4[%add3A_40, %dma_start3A_50] : memref<6144x768xf32, #tpu.memory_space<hbm>> -> memref<64x768xf32, #tpu.memory_space<hbm>>
      tpu.enqueue_dma source(%arg8 : memref<64x768xf32, #tpu.memory_space<vmem>>) target(%dma_start3A_51 : memref<64x768xf32, #tpu.memory_space<hbm>>) target_semaphore(%run_scoped3A : memref<!tpu.dma_semaphore, #tpu.memory_space<semaphore_mem>>)
      %dma_wait3A_52 = arith.constant 0 : i32
      %dma_wait3A_53 = tpu.memref_slice %arg4[%add3A_40, %dma_wait3A_52] : memref<6144x768xf32, #tpu.memory_space<hbm>> -> memref<64x768xf32, #tpu.memory_space<hbm>>
      %dma_wait3A_54 = arith.constant 0 : i32
      %dma_wait3A_55 = tpu.memref_slice %arg4[%add3A_40, %dma_wait3A_54] : memref<6144x768xf32, #tpu.memory_space<hbm>> -> memref<64x768xf32, #tpu.memory_space<hbm>>
      tpu.wait_dma2 semaphore(%run_scoped3A : memref<!tpu.dma_semaphore, #tpu.memory_space<semaphore_mem>>) src(%arg8 : memref<64x768xf32, #tpu.memory_space<vmem>>) dst(%dma_wait3A_55 : memref<64x768xf32, #tpu.memory_space<hbm>>)
      tpu.yield
    }) : () -> ()
    %dma_wait3A_41 = arith.constant 128 : i32
    %dma_wait3A_42 = tpu.memref_slice %arg6[%dma_wait3A_41] : memref<192xi32, #tpu.memory_space<vmem>> -> memref<64xi32, #tpu.memory_space<vmem>>
    %dma_wait3A_43 = arith.constant 0 : i32
    %dma_wait3A_44 = arith.constant 0 : i32
    %dma_wait3A_45 = tpu.memref_slice %arg2[%dma_wait3A_43, %dma_wait3A_44] : memref<2048x768xf32, #tpu.memory_space<hbm>> -> memref<2048x768xf32, #tpu.memory_space<hbm>>
    tpu.wait_indirect_dma semaphore(%arg9 : memref<!tpu.dma_semaphore, #tpu.memory_space<semaphore_mem>>) src(%dma_wait3A_45 : memref<2048x768xf32, #tpu.memory_space<hbm>>) dst(%arg7 : memref<64x768xf32, #tpu.memory_space<vmem>>)
    %add3A_46 = arith.constant 128 : i32
    %add3A_47 = arith.addi %mul3A_2, %add3A_46 : i32
    "tpu.region"() ({
      %run_scoped3A = tpu.sem_alloc : memref<!tpu.dma_semaphore, #tpu.memory_space<semaphore_mem>>
      %dma_start3A_48 = arith.constant 0 : i32
      %dma_start3A_49 = tpu.memref_slice %arg4[%add3A_47, %dma_start3A_48] : memref<6144x768xf32, #tpu.memory_space<hbm>> -> memref<64x768xf32, #tpu.memory_space<hbm>>
      %dma_start3A_50 = arith.constant 0 : i32
      %dma_start3A_51 = tpu.memref_slice %arg4[%add3A_47, %dma_start3A_50] : memref<6144x768xf32, #tpu.memory_space<hbm>> -> memref<64x768xf32, #tpu.memory_space<hbm>>
      tpu.enqueue_dma source(%arg7 : memref<64x768xf32, #tpu.memory_space<vmem>>) target(%dma_start3A_51 : memref<64x768xf32, #tpu.memory_space<hbm>>) target_semaphore(%run_scoped3A : memref<!tpu.dma_semaphore, #tpu.memory_space<semaphore_mem>>)
      %dma_wait3A_52 = arith.constant 0 : i32
      %dma_wait3A_53 = tpu.memref_slice %arg4[%add3A_47, %dma_wait3A_52] : memref<6144x768xf32, #tpu.memory_space<hbm>> -> memref<64x768xf32, #tpu.memory_space<hbm>>
      %dma_wait3A_54 = arith.constant 0 : i32
      %dma_wait3A_55 = tpu.memref_slice %arg4[%add3A_47, %dma_wait3A_54] : memref<6144x768xf32, #tpu.memory_space<hbm>> -> memref<64x768xf32, #tpu.memory_space<hbm>>
      tpu.wait_dma2 semaphore(%run_scoped3A : memref<!tpu.dma_semaphore, #tpu.memory_space<semaphore_mem>>) src(%arg7 : memref<64x768xf32, #tpu.memory_space<vmem>>) dst(%dma_wait3A_55 : memref<64x768xf32, #tpu.memory_space<hbm>>)
      tpu.yield
    }) : () -> ()
    return
  }
}

module attributes {stable_mosaic.version = 14 : i64} {
  func.func @_ffn_body(%arg0: i32, %arg1: memref<24xi32, #tpu.memory_space<smem>>, %arg2: memref<256x768xf32, #tpu.memory_space<vmem>>, %arg3: memref<1x768x1536xf32, #tpu.memory_space<vmem>>, %arg4: memref<1x1x1536xf32, #tpu.memory_space<vmem>>, %arg5: memref<1x1x1536xf32, #tpu.memory_space<vmem>>, %arg6: memref<1x1x1536xf32, #tpu.memory_space<vmem>>, %arg7: memref<1x1536x768xf32, #tpu.memory_space<vmem>>, %arg8: memref<1x1x768xf32, #tpu.memory_space<vmem>>, %arg9: memref<256x768xf32, #tpu.memory_space<vmem>>) attributes {dimension_semantics = [#tpu.dimension_semantics<arbitrary>], iteration_bounds = array<i64: 24>, scalar_prefetch = 1 : i64, scratch_operands = 0 : i64, tpu.core_type = #tpu.core_type<tc>, window_params = [{transform_indices = @transform_0, window_bounds = array<i64: 256, 768>}, {transform_indices = @transform_1, window_bounds = array<i64: 1, 768, 1536>}, {transform_indices = @transform_2, window_bounds = array<i64: 1, 1, 1536>}, {transform_indices = @transform_3, window_bounds = array<i64: 1, 1, 1536>}, {transform_indices = @transform_4, window_bounds = array<i64: 1, 1, 1536>}, {transform_indices = @transform_5, window_bounds = array<i64: 1, 1536, 768>}, {transform_indices = @transform_6, window_bounds = array<i64: 1, 1, 768>}, {transform_indices = @transform_7, window_bounds = array<i64: 256, 768>}]} {
    %get3A = arith.index_cast %arg0 : i32 to index
    %get3A_0 = memref.load %arg1[%get3A] : memref<24xi32, #tpu.memory_space<smem>>
    %ge3A = arith.constant 0 : i32
    %ge3A_1 = arith.cmpi sge, %get3A_0, %ge3A : i32
    %convert_element_type3A = arith.extui %ge3A_1 : i1 to i32
    %cond3A = arith.constant 0 : i32
    %cond3A_2 = arith.cmpi ne, %convert_element_type3A, %cond3A : i32
    scf.if %cond3A_2 {
      %get3A_3 = arith.constant 0 : index
      %get3A_4 = arith.constant 0 : index
      %get3A_5 = vector.load %arg2[%get3A_3, %get3A_4] : memref<256x768xf32, #tpu.memory_space<vmem>>, vector<256x768xf32>
      %convert_element_type3A_6 = arith.truncf %get3A_5 : vector<256x768xf32> to vector<256x768xbf16>
      %get3A_7 = arith.constant 0 : index
      %get3A_8 = arith.constant 0 : index
      %get3A_9 = arith.constant 0 : index
      %get3A_10 = vector.load %arg3[%get3A_7, %get3A_8, %get3A_9] : memref<1x768x1536xf32, #tpu.memory_space<vmem>>, vector<1x768x1536xf32>
      %get3A_11 = vector.shape_cast %get3A_10 : vector<1x768x1536xf32> to vector<768x1536xf32>
      %convert_element_type3A_12 = arith.truncf %get3A_11 : vector<768x1536xf32> to vector<768x1536xbf16>
      %dot_general3A = arith.constant dense<0.000000e+00> : vector<256x1536xf32>
      %dot_general3A_13 = tpu.matmul %convert_element_type3A_6, %convert_element_type3A_12, %dot_general3A {dimension_numbers = #tpu.dot_dimension_numbers<[1], [0], [0], [1], [0, 0, 1, 1], [], []>, transpose_lhs_hint = false} : vector<256x768xbf16>, vector<768x1536xbf16>, vector<256x1536xf32> -> vector<256x1536xf32>
      %get3A_14 = arith.constant 0 : index
      %get3A_15 = arith.constant 0 : index
      %get3A_16 = arith.constant 0 : index
      %get3A_17 = vector.load %arg4[%get3A_14, %get3A_15, %get3A_16] : memref<1x1x1536xf32, #tpu.memory_space<vmem>>, vector<1x1x1536xf32>
      %get3A_18 = vector.shape_cast %get3A_17 : vector<1x1x1536xf32> to vector<1x1536xf32>
      %add3A = vector.broadcast %get3A_18 : vector<1x1536xf32> to vector<256x1536xf32>
      %add3A_19 = arith.addf %dot_general3A_13, %add3A : vector<256x1536xf32>
      %reduce_sum3A = arith.constant dense<0.000000e+00> : vector<256xf32>
      %reduce_sum3A_20 = vector.multi_reduction <add>, %add3A_19, %reduce_sum3A [1] : vector<256x1536xf32> to vector<256xf32>
      %broadcast_in_dim3A = vector.shape_cast %reduce_sum3A_20 : vector<256xf32> to vector<256x1xf32>
      %div3A = arith.constant 1.536000e+03 : f32
      %div3A_21 = vector.broadcast %div3A : f32 to vector<256x1xf32>
      %div3A_22 = arith.divf %broadcast_in_dim3A, %div3A_21 : vector<256x1xf32>
      %sub3A = vector.broadcast %div3A_22 : vector<256x1xf32> to vector<256x1536xf32>
      %sub3A_23 = arith.subf %add3A_19, %sub3A : vector<256x1536xf32>
      %integer_pow3A = arith.mulf %sub3A_23, %sub3A_23 : vector<256x1536xf32>
      %reduce_sum3A_24 = arith.constant dense<0.000000e+00> : vector<256xf32>
      %reduce_sum3A_25 = vector.multi_reduction <add>, %integer_pow3A, %reduce_sum3A_24 [1] : vector<256x1536xf32> to vector<256xf32>
      %broadcast_in_dim3A_26 = vector.shape_cast %reduce_sum3A_25 : vector<256xf32> to vector<256x1xf32>
      %div3A_27 = arith.constant 1.536000e+03 : f32
      %div3A_28 = vector.broadcast %div3A_27 : f32 to vector<256x1xf32>
      %div3A_29 = arith.divf %broadcast_in_dim3A_26, %div3A_28 : vector<256x1xf32>
      %sub3A_30 = vector.broadcast %div3A_22 : vector<256x1xf32> to vector<256x1536xf32>
      %sub3A_31 = arith.subf %add3A_19, %sub3A_30 : vector<256x1536xf32>
      %add3A_32 = arith.constant 9.99999974E-6 : f32
      %add3A_33 = vector.broadcast %add3A_32 : f32 to vector<256x1xf32>
      %add3A_34 = arith.addf %div3A_29, %add3A_33 : vector<256x1xf32>
      %rsqrt3A = math.rsqrt %add3A_34 : vector<256x1xf32>
      %mul3A = vector.broadcast %rsqrt3A : vector<256x1xf32> to vector<256x1536xf32>
      %mul3A_35 = arith.mulf %sub3A_31, %mul3A : vector<256x1536xf32>
      %get3A_36 = arith.constant 0 : index
      %get3A_37 = arith.constant 0 : index
      %get3A_38 = arith.constant 0 : index
      %get3A_39 = vector.load %arg5[%get3A_36, %get3A_37, %get3A_38] : memref<1x1x1536xf32, #tpu.memory_space<vmem>>, vector<1x1x1536xf32>
      %get3A_40 = vector.shape_cast %get3A_39 : vector<1x1x1536xf32> to vector<1x1536xf32>
      %mul3A_41 = vector.broadcast %get3A_40 : vector<1x1536xf32> to vector<256x1536xf32>
      %mul3A_42 = arith.mulf %mul3A_35, %mul3A_41 : vector<256x1536xf32>
      %get3A_43 = arith.constant 0 : index
      %get3A_44 = arith.constant 0 : index
      %get3A_45 = arith.constant 0 : index
      %get3A_46 = vector.load %arg6[%get3A_43, %get3A_44, %get3A_45] : memref<1x1x1536xf32, #tpu.memory_space<vmem>>, vector<1x1x1536xf32>
      %get3A_47 = vector.shape_cast %get3A_46 : vector<1x1x1536xf32> to vector<1x1536xf32>
      %add3A_48 = vector.broadcast %get3A_47 : vector<1x1536xf32> to vector<256x1536xf32>
      %add3A_49 = arith.addf %mul3A_42, %add3A_48 : vector<256x1536xf32>
      %mul3A_50 = arith.constant 5.000000e-01 : f32
      %mul3A_51 = vector.broadcast %mul3A_50 : f32 to vector<256x1536xf32>
      %mul3A_52 = arith.mulf %mul3A_51, %add3A_49 : vector<256x1536xf32>
      %mul3A_53 = arith.constant 0.707106769 : f32
      %mul3A_54 = vector.broadcast %mul3A_53 : f32 to vector<256x1536xf32>
      %mul3A_55 = arith.mulf %add3A_49, %mul3A_54 : vector<256x1536xf32>
      %erf3A = math.erf %mul3A_55 : vector<256x1536xf32>
      %add3A_56 = arith.constant 1.000000e+00 : f32
      %add3A_57 = vector.broadcast %add3A_56 : f32 to vector<256x1536xf32>
      %add3A_58 = arith.addf %add3A_57, %erf3A : vector<256x1536xf32>
      %mul3A_59 = arith.mulf %mul3A_52, %add3A_58 : vector<256x1536xf32>
      %convert_element_type3A_60 = arith.truncf %mul3A_59 : vector<256x1536xf32> to vector<256x1536xbf16>
      %get3A_61 = arith.constant 0 : index
      %get3A_62 = arith.constant 0 : index
      %get3A_63 = arith.constant 0 : index
      %get3A_64 = vector.load %arg7[%get3A_61, %get3A_62, %get3A_63] : memref<1x1536x768xf32, #tpu.memory_space<vmem>>, vector<1x1536x768xf32>
      %get3A_65 = vector.shape_cast %get3A_64 : vector<1x1536x768xf32> to vector<1536x768xf32>
      %convert_element_type3A_66 = arith.truncf %get3A_65 : vector<1536x768xf32> to vector<1536x768xbf16>
      %dot_general3A_67 = arith.constant dense<0.000000e+00> : vector<256x768xf32>
      %dot_general3A_68 = tpu.matmul %convert_element_type3A_60, %convert_element_type3A_66, %dot_general3A_67 {dimension_numbers = #tpu.dot_dimension_numbers<[1], [0], [0], [1], [0, 0, 1, 1], [], []>, transpose_lhs_hint = false} : vector<256x1536xbf16>, vector<1536x768xbf16>, vector<256x768xf32> -> vector<256x768xf32>
      %get3A_69 = arith.constant 0 : index
      %get3A_70 = arith.constant 0 : index
      %get3A_71 = arith.constant 0 : index
      %get3A_72 = vector.load %arg8[%get3A_69, %get3A_70, %get3A_71] : memref<1x1x768xf32, #tpu.memory_space<vmem>>, vector<1x1x768xf32>
      %get3A_73 = vector.shape_cast %get3A_72 : vector<1x1x768xf32> to vector<1x768xf32>
      %add3A_74 = vector.broadcast %get3A_73 : vector<1x768xf32> to vector<256x768xf32>
      %add3A_75 = arith.addf %dot_general3A_68, %add3A_74 : vector<256x768xf32>
      %swap3A = arith.constant 0 : index
      %swap3A_76 = arith.constant 0 : index
      %swap3A_77 = vector.load %arg9[%swap3A, %swap3A_76] : memref<256x768xf32, #tpu.memory_space<vmem>>, vector<256x768xf32>
      tpu.vector_store %arg9[%swap3A, %swap3A_76], %add3A_75 {strides = array<i32>} : memref<256x768xf32, #tpu.memory_space<vmem>>, vector<256x768xf32>,
    } else {
    }
    return
  }
  func.func @transform_0(%arg0: i32, %arg1: memref<24xi32, #tpu.memory_space<smem>>) -> (i32, i32) {
    %c0_i32 = arith.constant 0 : i32
    %c0_i32_0 = arith.constant 0 : i32
    return %arg0, %c0_i32 : i32, i32
  }
  func.func @transform_1(%arg0: i32, %arg1: memref<24xi32, #tpu.memory_space<smem>>) -> (i32, i32, i32) {
    %get3A = arith.index_cast %arg0 : i32 to index
    %get3A_0 = memref.load %arg1[%get3A] : memref<24xi32, #tpu.memory_space<smem>>
    %lt3A = arith.constant 0 : i32
    %lt3A_1 = arith.cmpi slt, %get3A_0, %lt3A : i32
    %jit3A = arith.constant 7 : i32
    %select_n3A = arith.select %lt3A_1, %jit3A, %get3A_0 : i32
    %c0_i32 = arith.constant 0 : i32
    %c0_i32_2 = arith.constant 0 : i32
    %c0_i32_3 = arith.constant 0 : i32
    return %select_n3A, %c0_i32, %c0_i32_2 : i32, i32, i32
  }
  func.func @transform_2(%arg0: i32, %arg1: memref<24xi32, #tpu.memory_space<smem>>) -> (i32, i32, i32) {
    %get3A = arith.index_cast %arg0 : i32 to index
    %get3A_0 = memref.load %arg1[%get3A] : memref<24xi32, #tpu.memory_space<smem>>
    %lt3A = arith.constant 0 : i32
    %lt3A_1 = arith.cmpi slt, %get3A_0, %lt3A : i32
    %jit3A = arith.constant 7 : i32
    %select_n3A = arith.select %lt3A_1, %jit3A, %get3A_0 : i32
    %c0_i32 = arith.constant 0 : i32
    %c0_i32_2 = arith.constant 0 : i32
    %c0_i32_3 = arith.constant 0 : i32
    return %select_n3A, %c0_i32, %c0_i32_2 : i32, i32, i32
  }
  func.func @transform_3(%arg0: i32, %arg1: memref<24xi32, #tpu.memory_space<smem>>) -> (i32, i32, i32) {
    %get3A = arith.index_cast %arg0 : i32 to index
    %get3A_0 = memref.load %arg1[%get3A] : memref<24xi32, #tpu.memory_space<smem>>
    %lt3A = arith.constant 0 : i32
    %lt3A_1 = arith.cmpi slt, %get3A_0, %lt3A : i32
    %jit3A = arith.constant 7 : i32
    %select_n3A = arith.select %lt3A_1, %jit3A, %get3A_0 : i32
    %c0_i32 = arith.constant 0 : i32
    %c0_i32_2 = arith.constant 0 : i32
    %c0_i32_3 = arith.constant 0 : i32
    return %select_n3A, %c0_i32, %c0_i32_2 : i32, i32, i32
  }
  func.func @transform_4(%arg0: i32, %arg1: memref<24xi32, #tpu.memory_space<smem>>) -> (i32, i32, i32) {
    %get3A = arith.index_cast %arg0 : i32 to index
    %get3A_0 = memref.load %arg1[%get3A] : memref<24xi32, #tpu.memory_space<smem>>
    %lt3A = arith.constant 0 : i32
    %lt3A_1 = arith.cmpi slt, %get3A_0, %lt3A : i32
    %jit3A = arith.constant 7 : i32
    %select_n3A = arith.select %lt3A_1, %jit3A, %get3A_0 : i32
    %c0_i32 = arith.constant 0 : i32
    %c0_i32_2 = arith.constant 0 : i32
    %c0_i32_3 = arith.constant 0 : i32
    return %select_n3A, %c0_i32, %c0_i32_2 : i32, i32, i32
  }
  func.func @transform_5(%arg0: i32, %arg1: memref<24xi32, #tpu.memory_space<smem>>) -> (i32, i32, i32) {
    %get3A = arith.index_cast %arg0 : i32 to index
    %get3A_0 = memref.load %arg1[%get3A] : memref<24xi32, #tpu.memory_space<smem>>
    %lt3A = arith.constant 0 : i32
    %lt3A_1 = arith.cmpi slt, %get3A_0, %lt3A : i32
    %jit3A = arith.constant 7 : i32
    %select_n3A = arith.select %lt3A_1, %jit3A, %get3A_0 : i32
    %c0_i32 = arith.constant 0 : i32
    %c0_i32_2 = arith.constant 0 : i32
    %c0_i32_3 = arith.constant 0 : i32
    return %select_n3A, %c0_i32, %c0_i32_2 : i32, i32, i32
  }
  func.func @transform_6(%arg0: i32, %arg1: memref<24xi32, #tpu.memory_space<smem>>) -> (i32, i32, i32) {
    %get3A = arith.index_cast %arg0 : i32 to index
    %get3A_0 = memref.load %arg1[%get3A] : memref<24xi32, #tpu.memory_space<smem>>
    %lt3A = arith.constant 0 : i32
    %lt3A_1 = arith.cmpi slt, %get3A_0, %lt3A : i32
    %jit3A = arith.constant 7 : i32
    %select_n3A = arith.select %lt3A_1, %jit3A, %get3A_0 : i32
    %c0_i32 = arith.constant 0 : i32
    %c0_i32_2 = arith.constant 0 : i32
    %c0_i32_3 = arith.constant 0 : i32
    return %select_n3A, %c0_i32, %c0_i32_2 : i32, i32, i32
  }
  func.func @transform_7(%arg0: i32, %arg1: memref<24xi32, #tpu.memory_space<smem>>) -> (i32, i32) {
    %c0_i32 = arith.constant 0 : i32
    %c0_i32_0 = arith.constant 0 : i32
    return %arg0, %c0_i32 : i32, i32
  }
}

module attributes {stable_mosaic.version = 14 : i64} {
  func.func @_router_body(%arg0: memref<2048x768xf32, #tpu.memory_space<vmem>>, %arg1: memref<768x8xf32, #tpu.memory_space<vmem>>, %arg2: memref<4096xi32, #tpu.memory_space<vmem>>, %arg3: memref<2048x8xf32, #tpu.memory_space<vmem>>, %arg4: memref<2048x8xf32, #tpu.memory_space<vmem>>, %arg5: memref<24xi32, #tpu.memory_space<vmem>>, %arg6: memref<2048x8xf32, #tpu.memory_space<vmem>>, %arg7: memref<2048x8xf32, #tpu.memory_space<vmem>>, %arg8: memref<2048x8xf32, #tpu.memory_space<vmem>>, %arg9: memref<2048x8xf32, #tpu.memory_space<vmem>>) attributes {dimension_semantics = [], scalar_prefetch = 0 : i64, scratch_operands = 4 : i64, tpu.core_type = #tpu.core_type<tc>} {
    %get3A = arith.constant 0 : index
    %get3A_0 = arith.constant 0 : index
    %get3A_1 = vector.load %arg0[%get3A, %get3A_0] : memref<2048x768xf32, #tpu.memory_space<vmem>>, vector<2048x768xf32>
    %get3A_2 = arith.constant 0 : index
    %get3A_3 = arith.constant 0 : index
    %get3A_4 = vector.load %arg1[%get3A_2, %get3A_3] : memref<768x8xf32, #tpu.memory_space<vmem>>, vector<768x8xf32>
    %dot_general3A = arith.constant dense<0.000000e+00> : vector<2048x8xf32>
    %dot_general3A_5 = tpu.matmul %get3A_1, %get3A_4, %dot_general3A {dimension_numbers = #tpu.dot_dimension_numbers<[1], [0], [0], [1], [0, 0, 1, 1], [], []>, transpose_lhs_hint = false} : vector<2048x768xf32>, vector<768x8xf32>, vector<2048x8xf32> -> vector<2048x8xf32>
    %reduce_max3A = arith.constant dense<0xFF800000> : vector<2048xf32>
    %reduce_max3A_6 = vector.multi_reduction <maximumf>, %dot_general3A_5, %reduce_max3A [1] : vector<2048x8xf32> to vector<2048xf32>
    %broadcast_in_dim3A = vector.shape_cast %reduce_max3A_6 : vector<2048xf32> to vector<2048x1xf32>
    %sub3A = vector.broadcast %broadcast_in_dim3A : vector<2048x1xf32> to vector<2048x8xf32>
    %sub3A_7 = arith.subf %dot_general3A_5, %sub3A : vector<2048x8xf32>
    %exp3A = math.exp %sub3A_7 : vector<2048x8xf32>
    %reduce_sum3A = arith.constant dense<0.000000e+00> : vector<2048xf32>
    %reduce_sum3A_8 = vector.multi_reduction <add>, %exp3A, %reduce_sum3A [1] : vector<2048x8xf32> to vector<2048xf32>
    %broadcast_in_dim3A_9 = vector.shape_cast %reduce_sum3A_8 : vector<2048xf32> to vector<2048x1xf32>
    %div3A = vector.broadcast %broadcast_in_dim3A_9 : vector<2048x1xf32> to vector<2048x8xf32>
    %div3A_10 = arith.divf %exp3A, %div3A : vector<2048x8xf32>
    %iota3A = tpu.iota {dimensions = array<i32: 1>} : vector<2048x8xi32>
    %reduce_max3A_11 = arith.constant dense<0xFF800000> : vector<2048xf32>
    %reduce_max3A_12 = vector.multi_reduction <maximumf>, %div3A_10, %reduce_max3A_11 [1] : vector<2048x8xf32> to vector<2048xf32>
    %broadcast_in_dim3A_13 = vector.shape_cast %reduce_max3A_12 : vector<2048xf32> to vector<2048x1xf32>
    %eq3A = vector.broadcast %broadcast_in_dim3A_13 : vector<2048x1xf32> to vector<2048x8xf32>
    %eq3A_14 = arith.cmpf oeq, %div3A_10, %eq3A : vector<2048x8xf32>
    %jit3A = arith.constant 8 : i32
    %broadcast_in_dim3A_15 = vector.broadcast %jit3A : i32 to vector<2048x8xi32>
    %select_n3A = arith.select %eq3A_14, %iota3A, %broadcast_in_dim3A_15 : vector<2048x8xi1>, vector<2048x8xi32>
    %reduce_min3A = arith.constant dense<2147483647> : vector<2048xi32>
    %reduce_min3A_16 = vector.multi_reduction <minsi>, %select_n3A, %reduce_min3A [1] : vector<2048x8xi32> to vector<2048xi32>
    %broadcast_in_dim3A_17 = vector.shape_cast %reduce_min3A_16 : vector<2048xi32> to vector<2048x1xi32>
    %eq3A_18 = vector.broadcast %broadcast_in_dim3A_17 : vector<2048x1xi32> to vector<2048x8xi32>
    %eq3A_19 = arith.cmpi eq, %iota3A, %eq3A_18 : vector<2048x8xi32>
    %jit3A_20 = arith.constant -1.000000e+00 : f32
    %broadcast_in_dim3A_21 = vector.broadcast %jit3A_20 : f32 to vector<2048x8xf32>
    %select_n3A_22 = arith.select %eq3A_19, %broadcast_in_dim3A_21, %div3A_10 : vector<2048x8xi1>, vector<2048x8xf32>
    %reduce_max3A_23 = arith.constant dense<0xFF800000> : vector<2048xf32>
    %reduce_max3A_24 = vector.multi_reduction <maximumf>, %select_n3A_22, %reduce_max3A_23 [1] : vector<2048x8xf32> to vector<2048xf32>
    %broadcast_in_dim3A_25 = vector.shape_cast %reduce_max3A_24 : vector<2048xf32> to vector<2048x1xf32>
    %eq3A_26 = vector.broadcast %broadcast_in_dim3A_25 : vector<2048x1xf32> to vector<2048x8xf32>
    %eq3A_27 = arith.cmpf oeq, %select_n3A_22, %eq3A_26 : vector<2048x8xf32>
    %jit3A_28 = arith.constant 8 : i32
    %broadcast_in_dim3A_29 = vector.broadcast %jit3A_28 : i32 to vector<2048x8xi32>
    %select_n3A_30 = arith.select %eq3A_27, %iota3A, %broadcast_in_dim3A_29 : vector<2048x8xi1>, vector<2048x8xi32>
    %reduce_min3A_31 = arith.constant dense<2147483647> : vector<2048xi32>
    %reduce_min3A_32 = vector.multi_reduction <minsi>, %select_n3A_30, %reduce_min3A_31 [1] : vector<2048x8xi32> to vector<2048xi32>
    %broadcast_in_dim3A_33 = vector.shape_cast %reduce_min3A_32 : vector<2048xi32> to vector<2048x1xi32>
    %eq3A_34 = vector.broadcast %broadcast_in_dim3A_33 : vector<2048x1xi32> to vector<2048x8xi32>
    %eq3A_35 = arith.cmpi eq, %iota3A, %eq3A_34 : vector<2048x8xi32>
    %add3A = arith.addf %broadcast_in_dim3A_13, %broadcast_in_dim3A_25 : vector<2048x1xf32>
    %div3A_36 = arith.divf %broadcast_in_dim3A_13, %add3A : vector<2048x1xf32>
    %div3A_37 = arith.divf %broadcast_in_dim3A_25, %add3A : vector<2048x1xf32>
    %convert_element_type3A = arith.extui %eq3A_19 : vector<2048x8xi1> to vector<2048x8xi32>
    %convert_element_type3A_38 = arith.sitofp %convert_element_type3A : vector<2048x8xi32> to vector<2048x8xf32>
    %convert_element_type3A_39 = arith.extui %eq3A_35 : vector<2048x8xi1> to vector<2048x8xi32>
    %convert_element_type3A_40 = arith.sitofp %convert_element_type3A_39 : vector<2048x8xi32> to vector<2048x8xf32>
    %swap3A = arith.constant 0 : index
    %swap3A_41 = arith.constant 0 : index
    %swap3A_42 = vector.load %arg6[%swap3A, %swap3A_41] : memref<2048x8xf32, #tpu.memory_space<vmem>>, vector<2048x8xf32>
    tpu.vector_store %arg6[%swap3A, %swap3A_41], %convert_element_type3A_38 {strides = array<i32>} : memref<2048x8xf32, #tpu.memory_space<vmem>>, vector<2048x8xf32>,
    %swap3A_43 = arith.constant 0 : index
    %swap3A_44 = arith.constant 0 : index
    %swap3A_45 = vector.load %arg7[%swap3A_43, %swap3A_44] : memref<2048x8xf32, #tpu.memory_space<vmem>>, vector<2048x8xf32>
    tpu.vector_store %arg7[%swap3A_43, %swap3A_44], %convert_element_type3A_40 {strides = array<i32>} : memref<2048x8xf32, #tpu.memory_space<vmem>>, vector<2048x8xf32>,
    %iota3A_46 = tpu.iota {dimensions = array<i32: 0>} : vector<128x128xi32>
    %iota3A_47 = tpu.iota {dimensions = array<i32: 1>} : vector<128x128xi32>
    %gt3A = arith.cmpi sgt, %iota3A_46, %iota3A_47 : vector<128x128xi32>
    %convert_element_type3A_48 = arith.extui %gt3A : vector<128x128xi1> to vector<128x128xi32>
    %convert_element_type3A_49 = arith.sitofp %convert_element_type3A_48 : vector<128x128xi32> to vector<128x128xf32>
    %broadcast_in_dim3A_50 = arith.constant 0.000000e+00 : f32
    %broadcast_in_dim3A_51 = vector.broadcast %broadcast_in_dim3A_50 : f32 to vector<1x8xf32>
    %broadcast_in_dim3A_52 = arith.constant 0.000000e+00 : f32
    %broadcast_in_dim3A_53 = vector.broadcast %broadcast_in_dim3A_52 : f32 to vector<1x8xf32>
    %scan3A = arith.constant 0 : i32
    %scan3A_54 = arith.constant 16 : i32
    %scan3A_55 = arith.addi %scan3A, %scan3A_54 : i32
    %scan3A_56 = arith.constant 1 : i32
    %scan3A_57:2 = scf.for %scan3A_143 = %scan3A to %scan3A_55 step %scan3A_56 iter_args(%scan3A_144 = %broadcast_in_dim3A_51, %scan3A_145 = %broadcast_in_dim3A_53) -> (vector<1x8xf32>, vector<1x8xf32>)  : i32 {
      %mul3A_146 = arith.constant 128 : i32
      %mul3A_147 = arith.muli %scan3A_143, %mul3A_146 : i32
      %get3A_148 = arith.index_cast %mul3A_147 : i32 to index
      %get3A_149 = arith.constant 0 : index
      %get3A_150 = vector.load %arg6[%get3A_148, %get3A_149] : memref<2048x8xf32, #tpu.memory_space<vmem>>, vector<128x8xf32>
      %mul3A_151 = arith.constant 128 : i32
      %mul3A_152 = arith.muli %scan3A_143, %mul3A_151 : i32
      %get3A_153 = arith.index_cast %mul3A_152 : i32 to index
      %get3A_154 = arith.constant 0 : index
      %get3A_155 = vector.load %arg7[%get3A_153, %get3A_154] : memref<2048x8xf32, #tpu.memory_space<vmem>>, vector<128x8xf32>
      %dot_general3A_156 = arith.constant dense<0.000000e+00> : vector<128x8xf32>
      %dot_general3A_157 = tpu.matmul %convert_element_type3A_49, %get3A_150, %dot_general3A_156 {dimension_numbers = #tpu.dot_dimension_numbers<[1], [0], [0], [1], [0, 0, 1, 1], [], []>, transpose_lhs_hint = false} : vector<128x128xf32>, vector<128x8xf32>, vector<128x8xf32> -> vector<128x8xf32>
      %add3A_158 = vector.broadcast %scan3A_144 : vector<1x8xf32> to vector<128x8xf32>
      %add3A_159 = arith.addf %dot_general3A_157, %add3A_158 : vector<128x8xf32>
      %mul3A_160 = arith.constant 128 : i32
      %mul3A_161 = arith.muli %scan3A_143, %mul3A_160 : i32
      %swap3A_162 = arith.index_cast %mul3A_161 : i32 to index
      %swap3A_163 = arith.constant 0 : index
      %swap3A_164 = vector.load %arg8[%swap3A_162, %swap3A_163] : memref<2048x8xf32, #tpu.memory_space<vmem>>, vector<128x8xf32>
      tpu.vector_store %arg8[%swap3A_162, %swap3A_163], %add3A_159 {strides = array<i32>} : memref<2048x8xf32, #tpu.memory_space<vmem>>, vector<128x8xf32>,
      %dot_general3A_165 = arith.constant dense<0.000000e+00> : vector<128x8xf32>
      %dot_general3A_166 = tpu.matmul %convert_element_type3A_49, %get3A_155, %dot_general3A_165 {dimension_numbers = #tpu.dot_dimension_numbers<[1], [0], [0], [1], [0, 0, 1, 1], [], []>, transpose_lhs_hint = false} : vector<128x128xf32>, vector<128x8xf32>, vector<128x8xf32> -> vector<128x8xf32>
      %add3A_167 = vector.broadcast %scan3A_145 : vector<1x8xf32> to vector<128x8xf32>
      %add3A_168 = arith.addf %dot_general3A_166, %add3A_167 : vector<128x8xf32>
      %mul3A_169 = arith.constant 128 : i32
      %mul3A_170 = arith.muli %scan3A_143, %mul3A_169 : i32
      %swap3A_171 = arith.index_cast %mul3A_170 : i32 to index
      %swap3A_172 = arith.constant 0 : index
      %swap3A_173 = vector.load %arg9[%swap3A_171, %swap3A_172] : memref<2048x8xf32, #tpu.memory_space<vmem>>, vector<128x8xf32>
      tpu.vector_store %arg9[%swap3A_171, %swap3A_172], %add3A_168 {strides = array<i32>} : memref<2048x8xf32, #tpu.memory_space<vmem>>, vector<128x8xf32>,
      %reduce_sum3A_174 = arith.constant dense<0.000000e+00> : vector<8xf32>
      %reduce_sum3A_175 = vector.multi_reduction <add>, %get3A_150, %reduce_sum3A_174 [0] : vector<128x8xf32> to vector<8xf32>
      %broadcast_in_dim3A_176 = vector.shape_cast %reduce_sum3A_175 : vector<8xf32> to vector<1x8xf32>
      %add3A_177 = arith.addf %scan3A_144, %broadcast_in_dim3A_176 : vector<1x8xf32>
      %reduce_sum3A_178 = arith.constant dense<0.000000e+00> : vector<8xf32>
      %reduce_sum3A_179 = vector.multi_reduction <add>, %get3A_155, %reduce_sum3A_178 [0] : vector<128x8xf32> to vector<8xf32>
      %broadcast_in_dim3A_180 = vector.shape_cast %reduce_sum3A_179 : vector<8xf32> to vector<1x8xf32>
      %add3A_181 = arith.addf %scan3A_145, %broadcast_in_dim3A_180 : vector<1x8xf32>
      scf.yield %add3A_177, %add3A_181 : vector<1x8xf32>, vector<1x8xf32>
    }
    %scan3A_58 = arith.constant 16 : i32
    %get3A_59 = arith.constant 0 : index
    %get3A_60 = arith.constant 0 : index
    %get3A_61 = vector.load %arg8[%get3A_59, %get3A_60] : memref<2048x8xf32, #tpu.memory_space<vmem>>, vector<2048x8xf32>
    %get3A_62 = arith.constant 0 : index
    %get3A_63 = arith.constant 0 : index
    %get3A_64 = vector.load %arg9[%get3A_62, %get3A_63] : memref<2048x8xf32, #tpu.memory_space<vmem>>, vector<2048x8xf32>
    %add3A_65 = arith.addf %scan3A_57#0, %scan3A_57#1 : vector<1x8xf32>
    %div3A_66 = arith.constant 2.560000e+02 : f32
    %div3A_67 = vector.broadcast %div3A_66 : f32 to vector<1x8xf32>
    %div3A_68 = arith.divf %add3A_65, %div3A_67 : vector<1x8xf32>
    %ceil3A = math.ceil %div3A_68 : vector<1x8xf32>
    %mul3A = arith.constant 2.560000e+02 : f32
    %mul3A_69 = vector.broadcast %mul3A : f32 to vector<1x8xf32>
    %mul3A_70 = arith.mulf %ceil3A, %mul3A_69 : vector<1x8xf32>
    %iota3A_71 = tpu.iota {dimensions = array<i32: 0>} : vector<8x8xi32>
    %iota3A_72 = tpu.iota {dimensions = array<i32: 1>} : vector<8x8xi32>
    %lt3A = arith.cmpi slt, %iota3A_71, %iota3A_72 : vector<8x8xi32>
    %convert_element_type3A_73 = arith.extui %lt3A : vector<8x8xi1> to vector<8x8xi32>
    %convert_element_type3A_74 = arith.sitofp %convert_element_type3A_73 : vector<8x8xi32> to vector<8x8xf32>
    %dot_general3A_75 = arith.constant dense<0.000000e+00> : vector<1x8xf32>
    %dot_general3A_76 = tpu.matmul %mul3A_70, %convert_element_type3A_74, %dot_general3A_75 {dimension_numbers = #tpu.dot_dimension_numbers<[1], [0], [0], [1], [0, 0, 1, 1], [], []>, transpose_lhs_hint = false} : vector<1x8xf32>, vector<8x8xf32>, vector<1x8xf32> -> vector<1x8xf32>
    %mul3A_77 = arith.mulf %get3A_61, %convert_element_type3A_38 : vector<2048x8xf32>
    %reduce_sum3A_78 = arith.constant dense<0.000000e+00> : vector<2048xf32>
    %reduce_sum3A_79 = vector.multi_reduction <add>, %mul3A_77, %reduce_sum3A_78 [1] : vector<2048x8xf32> to vector<2048xf32>
    %broadcast_in_dim3A_80 = vector.shape_cast %reduce_sum3A_79 : vector<2048xf32> to vector<2048x1xf32>
    %add3A_81 = vector.broadcast %scan3A_57#0 : vector<1x8xf32> to vector<2048x8xf32>
    %add3A_82 = arith.addf %get3A_64, %add3A_81 : vector<2048x8xf32>
    %mul3A_83 = arith.mulf %add3A_82, %convert_element_type3A_40 : vector<2048x8xf32>
    %reduce_sum3A_84 = arith.constant dense<0.000000e+00> : vector<2048xf32>
    %reduce_sum3A_85 = vector.multi_reduction <add>, %mul3A_83, %reduce_sum3A_84 [1] : vector<2048x8xf32> to vector<2048xf32>
    %broadcast_in_dim3A_86 = vector.shape_cast %reduce_sum3A_85 : vector<2048xf32> to vector<2048x1xf32>
    %mul3A_87 = vector.broadcast %dot_general3A_76 : vector<1x8xf32> to vector<2048x8xf32>
    %mul3A_88 = arith.mulf %mul3A_87, %convert_element_type3A_38 : vector<2048x8xf32>
    %reduce_sum3A_89 = arith.constant dense<0.000000e+00> : vector<2048xf32>
    %reduce_sum3A_90 = vector.multi_reduction <add>, %mul3A_88, %reduce_sum3A_89 [1] : vector<2048x8xf32> to vector<2048xf32>
    %broadcast_in_dim3A_91 = vector.shape_cast %reduce_sum3A_90 : vector<2048xf32> to vector<2048x1xf32>
    %add3A_92 = arith.addf %broadcast_in_dim3A_91, %broadcast_in_dim3A_80 : vector<2048x1xf32>
    %mul3A_93 = vector.broadcast %dot_general3A_76 : vector<1x8xf32> to vector<2048x8xf32>
    %mul3A_94 = arith.mulf %mul3A_93, %convert_element_type3A_40 : vector<2048x8xf32>
    %reduce_sum3A_95 = arith.constant dense<0.000000e+00> : vector<2048xf32>
    %reduce_sum3A_96 = vector.multi_reduction <add>, %mul3A_94, %reduce_sum3A_95 [1] : vector<2048x8xf32> to vector<2048xf32>
    %broadcast_in_dim3A_97 = vector.shape_cast %reduce_sum3A_96 : vector<2048xf32> to vector<2048x1xf32>
    %add3A_98 = arith.addf %broadcast_in_dim3A_97, %broadcast_in_dim3A_86 : vector<2048x1xf32>
    %convert_element_type3A_99 = arith.fptosi %add3A_92 : vector<2048x1xf32> to vector<2048x1xi32>
    %reshape3A = vector.shape_cast %convert_element_type3A_99 : vector<2048x1xi32> to vector<2048xi32>
    %swap3A_100 = arith.constant 0 : index
    %swap3A_101 = vector.load %arg2[%swap3A_100] : memref<4096xi32, #tpu.memory_space<vmem>>, vector<2048xi32>
    tpu.vector_store %arg2[%swap3A_100], %reshape3A {strides = array<i32>} : memref<4096xi32, #tpu.memory_space<vmem>>, vector<2048xi32>,
    %convert_element_type3A_102 = arith.fptosi %add3A_98 : vector<2048x1xf32> to vector<2048x1xi32>
    %reshape3A_103 = vector.shape_cast %convert_element_type3A_102 : vector<2048x1xi32> to vector<2048xi32>
    %swap3A_104 = arith.constant 2048 : index
    %swap3A_105 = vector.load %arg2[%swap3A_104] : memref<4096xi32, #tpu.memory_space<vmem>>, vector<2048xi32>
    tpu.vector_store %arg2[%swap3A_104], %reshape3A_103 {strides = array<i32>} : memref<4096xi32, #tpu.memory_space<vmem>>, vector<2048xi32>,
    %broadcast_in_dim3A_106 = arith.constant 1.000000e+00 : f32
    %broadcast_in_dim3A_107 = vector.broadcast %broadcast_in_dim3A_106 : f32 to vector<1x8xf32>
    %mul3A_108 = vector.broadcast %div3A_36 : vector<2048x1xf32> to vector<2048x8xf32>
    %mul3A_109 = vector.broadcast %broadcast_in_dim3A_107 : vector<1x8xf32> to vector<2048x8xf32>
    %mul3A_110 = arith.mulf %mul3A_108, %mul3A_109 : vector<2048x8xf32>
    %swap3A_111 = arith.constant 0 : index
    %swap3A_112 = arith.constant 0 : index
    %swap3A_113 = vector.load %arg3[%swap3A_111, %swap3A_112] : memref<2048x8xf32, #tpu.memory_space<vmem>>, vector<2048x8xf32>
    tpu.vector_store %arg3[%swap3A_111, %swap3A_112], %mul3A_110 {strides = array<i32>} : memref<2048x8xf32, #tpu.memory_space<vmem>>, vector<2048x8xf32>,
    %mul3A_114 = vector.broadcast %div3A_37 : vector<2048x1xf32> to vector<2048x8xf32>
    %mul3A_115 = vector.broadcast %broadcast_in_dim3A_107 : vector<1x8xf32> to vector<2048x8xf32>
    %mul3A_116 = arith.mulf %mul3A_114, %mul3A_115 : vector<2048x8xf32>
    %swap3A_117 = arith.constant 0 : index
    %swap3A_118 = arith.constant 0 : index
    %swap3A_119 = vector.load %arg4[%swap3A_117, %swap3A_118] : memref<2048x8xf32, #tpu.memory_space<vmem>>, vector<2048x8xf32>
    tpu.vector_store %arg4[%swap3A_117, %swap3A_118], %mul3A_116 {strides = array<i32>} : memref<2048x8xf32, #tpu.memory_space<vmem>>, vector<2048x8xf32>,
    %iota3A_120 = tpu.iota {dimensions = array<i32: 0>} : vector<24x8xi32>
    %mul3A_121 = arith.constant 256 : i32
    %mul3A_122 = vector.broadcast %mul3A_121 : i32 to vector<24x8xi32>
    %mul3A_123 = arith.muli %iota3A_120, %mul3A_122 : vector<24x8xi32>
    %convert_element_type3A_124 = arith.sitofp %mul3A_123 : vector<24x8xi32> to vector<24x8xf32>
    %iota3A_125 = tpu.iota {dimensions = array<i32: 1>} : vector<24x8xi32>
    %ge3A = vector.broadcast %dot_general3A_76 : vector<1x8xf32> to vector<24x8xf32>
    %ge3A_126 = arith.cmpf oge, %convert_element_type3A_124, %ge3A : vector<24x8xf32>
    %add3A_127 = arith.addf %dot_general3A_76, %mul3A_70 : vector<1x8xf32>
    %lt3A_128 = vector.broadcast %add3A_127 : vector<1x8xf32> to vector<24x8xf32>
    %lt3A_129 = arith.cmpf olt, %convert_element_type3A_124, %lt3A_128 : vector<24x8xf32>
    %and3A = arith.andi %ge3A_126, %lt3A_129 : vector<24x8xi1>
    %add3A_130 = arith.constant 1 : i32
    %add3A_131 = vector.broadcast %add3A_130 : i32 to vector<24x8xi32>
    %add3A_132 = arith.addi %iota3A_125, %add3A_131 : vector<24x8xi32>
    %jit3A_133 = arith.constant 0 : i32
    %broadcast_in_dim3A_134 = vector.broadcast %jit3A_133 : i32 to vector<24x8xi32>
    %select_n3A_135 = arith.select %and3A, %add3A_132, %broadcast_in_dim3A_134 : vector<24x8xi1>, vector<24x8xi32>
    %reduce_sum3A_136 = arith.constant dense<0> : vector<24xi32>
    %reduce_sum3A_137 = vector.multi_reduction <add>, %select_n3A_135, %reduce_sum3A_136 [1] : vector<24x8xi32> to vector<24xi32>
    %sub3A_138 = arith.constant 1 : i32
    %sub3A_139 = vector.broadcast %sub3A_138 : i32 to vector<24xi32>
    %sub3A_140 = arith.subi %reduce_sum3A_137, %sub3A_139 : vector<24xi32>
    %swap3A_141 = arith.constant 0 : index
    %swap3A_142 = vector.load %arg5[%swap3A_141] : memref<24xi32, #tpu.memory_space<vmem>>, vector<24xi32>
    tpu.vector_store %arg5[%swap3A_141], %sub3A_140 {strides = array<i32>} : memref<24xi32, #tpu.memory_space<vmem>>, vector<24xi32>,
    return
  }
}

module attributes {stable_mosaic.version = 14 : i64} {
  func.func @_combine_body(%arg0: i32, %arg1: memref<256x768xf32, #tpu.memory_space<vmem>>, %arg2: memref<256x768xf32, #tpu.memory_space<vmem>>, %arg3: memref<256x768xf32, #tpu.memory_space<vmem>>, %arg4: memref<256x8xf32, #tpu.memory_space<vmem>>, %arg5: memref<256x8xf32, #tpu.memory_space<vmem>>, %arg6: memref<1x768xf32, #tpu.memory_space<vmem>>, %arg7: memref<1x768xf32, #tpu.memory_space<vmem>>, %arg8: memref<256x768xf32, #tpu.memory_space<vmem>>) attributes {dimension_semantics = [#tpu.dimension_semantics<arbitrary>], iteration_bounds = array<i64: 8>, scalar_prefetch = 0 : i64, scratch_operands = 0 : i64, tpu.core_type = #tpu.core_type<tc>, window_params = [{transform_indices = @transform_0, window_bounds = array<i64: 256, 768>}, {transform_indices = @transform_1, window_bounds = array<i64: 256, 768>}, {transform_indices = @transform_2, window_bounds = array<i64: 256, 768>}, {transform_indices = @transform_3, window_bounds = array<i64: 256, 8>}, {transform_indices = @transform_4, window_bounds = array<i64: 256, 8>}, {pipeline_mode = #tpu.pipeline_mode<synchronous>, transform_indices = @transform_5, window_bounds = array<i64: 1, 768>}, {pipeline_mode = #tpu.pipeline_mode<synchronous>, transform_indices = @transform_6, window_bounds = array<i64: 1, 768>}, {transform_indices = @transform_7, window_bounds = array<i64: 256, 768>}]} {
    %get3A = arith.constant 0 : index
    %get3A_0 = arith.constant 0 : index
    %get3A_1 = vector.load %arg1[%get3A, %get3A_0] : memref<256x768xf32, #tpu.memory_space<vmem>>, vector<256x768xf32>
    %get3A_2 = arith.constant 0 : index
    %get3A_3 = arith.constant 0 : index
    %get3A_4 = vector.load %arg4[%get3A_2, %get3A_3] : memref<256x8xf32, #tpu.memory_space<vmem>>, vector<256x1xf32>
    %get3A_5 = arith.constant 0 : index
    %get3A_6 = arith.constant 0 : index
    %get3A_7 = vector.load %arg2[%get3A_5, %get3A_6] : memref<256x768xf32, #tpu.memory_space<vmem>>, vector<256x768xf32>
    %mul3A = vector.broadcast %get3A_4 : vector<256x1xf32> to vector<256x768xf32>
    %mul3A_8 = arith.mulf %mul3A, %get3A_7 : vector<256x768xf32>
    %add3A = arith.addf %get3A_1, %mul3A_8 : vector<256x768xf32>
    %get3A_9 = arith.constant 0 : index
    %get3A_10 = arith.constant 0 : index
    %get3A_11 = vector.load %arg5[%get3A_9, %get3A_10] : memref<256x8xf32, #tpu.memory_space<vmem>>, vector<256x1xf32>
    %get3A_12 = arith.constant 0 : index
    %get3A_13 = arith.constant 0 : index
    %get3A_14 = vector.load %arg3[%get3A_12, %get3A_13] : memref<256x768xf32, #tpu.memory_space<vmem>>, vector<256x768xf32>
    %mul3A_15 = vector.broadcast %get3A_11 : vector<256x1xf32> to vector<256x768xf32>
    %mul3A_16 = arith.mulf %mul3A_15, %get3A_14 : vector<256x768xf32>
    %add3A_17 = arith.addf %add3A, %mul3A_16 : vector<256x768xf32>
    %reduce_sum3A = arith.constant dense<0.000000e+00> : vector<256xf32>
    %reduce_sum3A_18 = vector.multi_reduction <add>, %add3A_17, %reduce_sum3A [1] : vector<256x768xf32> to vector<256xf32>
    %broadcast_in_dim3A = vector.shape_cast %reduce_sum3A_18 : vector<256xf32> to vector<256x1xf32>
    %div3A = arith.constant 7.680000e+02 : f32
    %div3A_19 = vector.broadcast %div3A : f32 to vector<256x1xf32>
    %div3A_20 = arith.divf %broadcast_in_dim3A, %div3A_19 : vector<256x1xf32>
    %sub3A = vector.broadcast %div3A_20 : vector<256x1xf32> to vector<256x768xf32>
    %sub3A_21 = arith.subf %add3A_17, %sub3A : vector<256x768xf32>
    %integer_pow3A = arith.mulf %sub3A_21, %sub3A_21 : vector<256x768xf32>
    %reduce_sum3A_22 = arith.constant dense<0.000000e+00> : vector<256xf32>
    %reduce_sum3A_23 = vector.multi_reduction <add>, %integer_pow3A, %reduce_sum3A_22 [1] : vector<256x768xf32> to vector<256xf32>
    %broadcast_in_dim3A_24 = vector.shape_cast %reduce_sum3A_23 : vector<256xf32> to vector<256x1xf32>
    %div3A_25 = arith.constant 7.680000e+02 : f32
    %div3A_26 = vector.broadcast %div3A_25 : f32 to vector<256x1xf32>
    %div3A_27 = arith.divf %broadcast_in_dim3A_24, %div3A_26 : vector<256x1xf32>
    %sub3A_28 = vector.broadcast %div3A_20 : vector<256x1xf32> to vector<256x768xf32>
    %sub3A_29 = arith.subf %add3A_17, %sub3A_28 : vector<256x768xf32>
    %add3A_30 = arith.constant 9.99999974E-6 : f32
    %add3A_31 = vector.broadcast %add3A_30 : f32 to vector<256x1xf32>
    %add3A_32 = arith.addf %div3A_27, %add3A_31 : vector<256x1xf32>
    %rsqrt3A = math.rsqrt %add3A_32 : vector<256x1xf32>
    %mul3A_33 = vector.broadcast %rsqrt3A : vector<256x1xf32> to vector<256x768xf32>
    %mul3A_34 = arith.mulf %sub3A_29, %mul3A_33 : vector<256x768xf32>
    %get3A_35 = arith.constant 0 : index
    %get3A_36 = arith.constant 0 : index
    %get3A_37 = vector.load %arg6[%get3A_35, %get3A_36] : memref<1x768xf32, #tpu.memory_space<vmem>>, vector<1x768xf32>
    %mul3A_38 = vector.broadcast %get3A_37 : vector<1x768xf32> to vector<256x768xf32>
    %mul3A_39 = arith.mulf %mul3A_34, %mul3A_38 : vector<256x768xf32>
    %get3A_40 = arith.constant 0 : index
    %get3A_41 = arith.constant 0 : index
    %get3A_42 = vector.load %arg7[%get3A_40, %get3A_41] : memref<1x768xf32, #tpu.memory_space<vmem>>, vector<1x768xf32>
    %add3A_43 = vector.broadcast %get3A_42 : vector<1x768xf32> to vector<256x768xf32>
    %add3A_44 = arith.addf %mul3A_39, %add3A_43 : vector<256x768xf32>
    %swap3A = arith.constant 0 : index
    %swap3A_45 = arith.constant 0 : index
    %swap3A_46 = vector.load %arg8[%swap3A, %swap3A_45] : memref<256x768xf32, #tpu.memory_space<vmem>>, vector<256x768xf32>
    tpu.vector_store %arg8[%swap3A, %swap3A_45], %add3A_44 {strides = array<i32>} : memref<256x768xf32, #tpu.memory_space<vmem>>, vector<256x768xf32>,
    return
  }
  func.func @transform_0(%arg0: i32) -> (i32, i32) {
    %c0_i32 = arith.constant 0 : i32
    %c0_i32_0 = arith.constant 0 : i32
    return %arg0, %c0_i32 : i32, i32
  }
  func.func @transform_1(%arg0: i32) -> (i32, i32) {
    %c0_i32 = arith.constant 0 : i32
    %c0_i32_0 = arith.constant 0 : i32
    return %arg0, %c0_i32 : i32, i32
  }
  func.func @transform_2(%arg0: i32) -> (i32, i32) {
    %add3A = arith.constant 8 : i32
    %add3A_0 = arith.addi %arg0, %add3A : i32
    %c0_i32 = arith.constant 0 : i32
    %c0_i32_1 = arith.constant 0 : i32
    return %add3A_0, %c0_i32 : i32, i32
  }
  func.func @transform_3(%arg0: i32) -> (i32, i32) {
    %c0_i32 = arith.constant 0 : i32
    %c0_i32_0 = arith.constant 0 : i32
    return %arg0, %c0_i32 : i32, i32
  }
  func.func @transform_4(%arg0: i32) -> (i32, i32) {
    %c0_i32 = arith.constant 0 : i32
    %c0_i32_0 = arith.constant 0 : i32
    return %arg0, %c0_i32 : i32, i32
  }
  func.func @transform_5(%arg0: i32) -> (i32, i32) {
    %c0_i32 = arith.constant 0 : i32
    %c0_i32_0 = arith.constant 0 : i32
    %c0_i32_1 = arith.constant 0 : i32
    return %c0_i32, %c0_i32_0 : i32, i32
  }
  func.func @transform_6(%arg0: i32) -> (i32, i32) {
    %c0_i32 = arith.constant 0 : i32
    %c0_i32_0 = arith.constant 0 : i32
    %c0_i32_1 = arith.constant 0 : i32
    return %c0_i32, %c0_i32_0 : i32, i32
  }
  func.func @transform_7(%arg0: i32) -> (i32, i32) {
    %c0_i32 = arith.constant 0 : i32
    %c0_i32_0 = arith.constant 0 : i32
    return %arg0, %c0_i32 : i32, i32
  }
}

</mosaic_0001>

<sc_bundles>
// kernel: sc_dispatch_gather.3.cloned.1.call-start
scs
__scs_entry_jumppad:
0x0: {  	(pc) =	sbr.rel $0x88, $3  }
0x1: {  	(tag) =	ssettag $0x0;
	lr =	simm.s32 $0x1  }
0x2: {  	[smem:$0x3F97] =	sst lr;
	_ =	strace $0xD0000000  }
0x3: {  	_ = 	snop  }
0x4: {  	_ = 	snop  }
0x5: {  	_ = 	snop  }
0x6: {  	_ = 	snop  }
0x7: {  	_ = 	snop  }
__scs_overlays_trampoline_lowered:
0x8: {  	[smem:$0x3FA6] =	sst s0  }
0x9: {  	[smem:$0x3FA7] =	sst s1  }
0xa: {  	[smem:$0x3FA8] =	sst s2  }
0xb: {  	[smem:$0x3FA9] =	sst s3  }
0xc: {  	[smem:$0x3FAA] =	sst s4  }
0xd: {  	[smem:$0x3FAB] =	sst s5  }
0xe: {  	[smem:$0x3FAC] =	sst s6  }
0xf: {  	[smem:$0x3FAD] =	sst s7  }
0x10: {  	[smem:$0x3FAE] =	sst s8  }
0x11: {  	[smem:$0x3FAF] =	sst s9;
	s0 =	simm.s32 @!p0 $0x0  }
0x12: {  	s1 =	sld [smem:$0x3F95];
	s0 =	simm.s32 @p0 $0x1  }
0x13: {  	[smem:$0x3FB0] =	sst s0;
	s0 =	simm.s32 @!p1 $0x0  }
0x14: {  	s2 =	sld [smem:$0x3F94];
	s0 =	simm.s32 @p1 $0x1  }
0x15: {  	[smem:$0x3FB1] =	sst s0;
	s0 =	simm.s32 @!p2 $0x0  }
0x16: {  	s3 =	sld [smem:$0x3FDB];
	s0 =	simm.s32 @p2 $0x1  }
0x17: {  	s4 =	simm.s32 $0x1BF5;
	[smem:$0x3FB3] =	sst s0  }
0x18: {  	s0 =	sld [smem:$0x3F96];
	_ =	swait.ge [sflag:s4], $0x0  }
0x19: {  	s7 =	sld [smem:$0x3F97]  }
0x1a: {  	s8 =	sadd.s32 $0xFFFFE003, lr  }
0x1b: {  	s9 =	sadd.s32 $0xFFFFFEF7, lr;
	s5 =	simm.s32 $0xFFFFFFFF;
	p2 =	slt.u32 s8, $0xFFFFF086  }
0x1c: {  	p1 =	slt.u32 s9, $0xF7A;
	s5 =	simm.s32 @!p2 $0x0  }
0x1d: {  	s5 =	simm.s32 @p1 $0x1;
	p0 =	seq.s32 s7, s2  }
0x1e: {  	s7 =	smul.u32 @!p0 $0xF7A, s2;
	p2 =	seq.s32 @!p0 s5, $0x0  }
0x1f: {  	s9 =	smul.u32 $0xF7A, s1;
	s8 =	simm.s32 @!p0 $0x1BF5;
	p2 =	por !p2, p0  }
0x20: {  	[sflag:s8] =	ssyncset.s32 @!p0 $0xFFFFF086;
	s6 =	sadd.s32 @!p0 s3, s7;
	s7 =	simm.s32 @!p0 $0x108  }
0x21: {  	s3 =	sadd.s32 s3, s9;
	s6 =	sadd.s32 @!p0 $0x88, s6;
	s7 =	simm.s32 @p2 $0x1082  }
0x22: {  	[simem:s7], [sflag:s8] =	dma.local @!p0 [hbm:s6], $0xF7A  }
0x23: {  	s9 =	sor.u32 $0xD0000000, s2;
	s6 =	simm.s32 $0x108;
	_ =	swait.ge @!p0 [sflag:s8], $0x0  }
0x24: {  	s3 =	sadd.s32 $0x88, s3;
	s6 =	simm.s32 @!p1 $0x1082;
	[sflag:s4] =	ssyncset.s32 $0xFFFFF086  }
0x25: {  	[simem:s6], [sflag:s4] =	dma.local [hbm:s3], $0xF7A  }
0x26: {  	[smem:$0x3F97] =	sst s1;
	(tag) =	ssettag s2;
	_ =	strace s9  }
0x27: {  	s1 =	sld [smem:$0x3FA7]  }
0x28: {  	s2 =	sld [smem:$0x3FA8]  }
0x29: {  	s4 =	sld [smem:$0x3FAA]  }
0x2a: {  	p0 =	seq.s32 s5, $0x0;
	s5 =	sld [smem:$0x3FAB]  }
0x2b: {  	s6 =	sld [smem:$0x3FAC]  }
0x2c: {  	s7 =	sld [smem:$0x3FAD]  }
0x2d: {  	s3 =	simm.s32 $0x108;
	s8 =	sld [smem:$0x3FAE]  }
0x2e: {  	s3 =	simm.s32 @!p0 $0x1082;
	s9 =	sld [smem:$0x3FAF]  }
0x2f: {  	lr =	sadd.s32 s0, s3;
	s0 =	sld [smem:$0x3FA6]  }
0x30: {  	s3 =	sld [smem:$0x3FA9]  }
0x31: {  	[smem:$0x3FB2] =	sst s10  }
0x32: {  	s10 =	sld [smem:$0x3FB0];
	_ =	sdelay $0x3  }
0x33: {  	p0 =	seq.s32 s10, $0x1;
	s10 =	sld [smem:$0x3FB2];
	_ =	sdelay $0x3  }
0x34: {  	[smem:$0x3FB2] =	sst s10  }
0x35: {  	s10 =	sld [smem:$0x3FB1];
	_ =	sdelay $0x3  }
0x36: {  	p1 =	seq.s32 s10, $0x1;
	s10 =	sld [smem:$0x3FB2];
	_ =	sdelay $0x3  }
0x37: {  	[smem:$0x3FB2] =	sst s10  }
0x38: {  	s10 =	sld [smem:$0x3FB3]  }
0x39: {  	_ = 	snop;
	(pc) =	sbr.ind lr, $3  }
0x3a: {  	_ = 	snop  }
0x3b: {  	_ = 	snop  }
0x3c: {  	p2 =	seq.s32 s10, $0x1;
	s10 =	sld [smem:$0x3FB2]  }
0x3d: {  	_ =	shalt  }
0x3e: {  	_ =	shalt  }
0x3f: {  	_ =	shalt  }
0x40: {  	_ =	shalt  }
0x41: {  	_ =	shalt  }
0x42: {  	_ =	shalt  }
0x43: {  	_ =	shalt  }
0x44: {  	_ =	shalt  }
0x45: {  	_ =	shalt  }
0x46: {  	_ =	shalt  }
0x47: {  	_ =	shalt  }
0x48: {  	_ =	shalt  }
0x49: {  	_ =	shalt  }
0x4a: {  	_ =	shalt  }
0x4b: {  	_ =	shalt  }
0x4c: {  	_ =	shalt  }
0x4d: {  	_ =	shalt  }
0x4e: {  	_ =	shalt  }
0x4f: {  	_ =	shalt  }
0x50: {  	_ =	shalt  }
0x51: {  	_ =	shalt  }
0x52: {  	_ =	shalt  }
0x53: {  	_ =	shalt  }
0x54: {  	_ =	shalt  }
0x55: {  	_ =	shalt  }
0x56: {  	_ =	shalt  }
0x57: {  	_ =	shalt  }
0x58: {  	_ =	shalt  }
0x59: {  	_ =	shalt  }
0x5a: {  	_ =	shalt  }
0x5b: {  	_ =	shalt  }
0x5c: {  	_ =	shalt  }
0x5d: {  	_ =	shalt  }
0x5e: {  	_ =	shalt  }
0x5f: {  	_ =	shalt  }
0x60: {  	_ =	shalt  }
0x61: {  	_ =	shalt  }
0x62: {  	_ =	shalt  }
0x63: {  	_ =	shalt  }
0x64: {  	_ =	shalt  }
0x65: {  	_ =	shalt  }
0x66: {  	_ =	shalt  }
0x67: {  	_ =	shalt  }
0x68: {  	_ =	shalt  }
0x69: {  	_ =	shalt  }
0x6a: {  	_ =	shalt  }
0x6b: {  	_ =	shalt  }
0x6c: {  	_ =	shalt  }
0x6d: {  	_ =	shalt  }
0x6e: {  	_ =	shalt  }
0x6f: {  	_ =	shalt  }
0x70: {  	_ =	shalt  }
0x71: {  	_ =	shalt  }
0x72: {  	_ =	shalt  }
0x73: {  	_ =	shalt  }
0x74: {  	_ =	shalt  }
0x75: {  	_ =	shalt  }
0x76: {  	_ =	shalt  }
0x77: {  	_ =	shalt  }
0x78: {  	_ =	shalt  }
0x79: {  	_ =	shalt  }
0x7a: {  	_ =	shalt  }
0x7b: {  	_ =	shalt  }
0x7c: {  	_ =	shalt  }
0x7d: {  	_ =	shalt  }
0x7e: {  	_ =	shalt  }
0x7f: {  	_ =	shalt  }
0x80: {  	_ =	shalt  }
0x81: {  	_ =	shalt  }
0x82: {  	_ =	shalt  }
0x83: {  	_ =	shalt  }
0x84: {  	_ =	shalt  }
0x85: {  	_ =	shalt  }
0x86: {  	_ =	shalt  }
0x87: {  	_ =	shalt  }
.Lfunc_end0:
.L_simem_size_0:
called_computation_lowered:
.L_overlay_start_0:
0x88: {  	s2 =	sld [smem:$0x3FD9]  }
0x89: {  	s3 =	sld [smem:$0x3FFE];
	_ =	sdelay $0x1  }
0x8a: {  	s1 =	srdreg.scid  }
0x8b: {  	s0 =	sand.u32 $0x1, s1  }
0x8c: {  	s17 =	sshll.u32 s0, $0xA;
	s2 =	sadd.s32 s3, s2  }
0x8d: {  	s2 =	sadd.s32 s2, s17  }
0x8e: {  	[smem:$0x3FBE] =	sst s2  }
0x8f: {  	_ = 	snop  }
0x90: {  	s2 =	sld [smem:$0x3FC9]  }
0x91: {  	s18 =	sld [smem:$0x3FD0];
	(tm) =	ssettm $0x1  }
0x92: {  	s4 =	sld [smem:$0x3FFB];
	_ =	sdelay $0x3  }
0x93: {  	_ =	strace s4  }
0x94: {  	s4 =	sld [smem:$0x3FFC];
	_ =	sdelay $0x3  }
0x95: {  	_ =	strace s4  }
0x96: {  	s4 =	sld [smem:$0x3FFD];
	_ =	sdelay $0x3  }
0x97: {  	_ =	strace s4  }
0x98: {  	_ =	strace $0x8FFFFFFF  }
0x99: {  	s19 =	sld [smem:$0x3FDB];
	_ =	sdelay $0x1  }
0x9a: {  	s5 =	simm.s32 $_scs_section_size  }
0x9b: {  	s6 =	simm.s32 $_size__tile_overlayer_lowered;
	s7 =	simm.s32 $_tile_overlayer_lowered  }
0x9c: {  	s22 =	simm.s32 $0x1BFF;
	s21 =	sshll.u32 s7, $0x1;
	s4 =	sadd.s32 s5, s19  }
0x9d: {  	s8 =	simm.s32 $0x0;
	s20 =	sshll.u32 s6, $0x1;
	s6 =	sadd.s32 s21, s4  }
0x9e: {  	[timem:s8], [sflag:s22] =	dma.local [hbm:s6], s20  }
0x9f: {  	_ =	swait.ge [sflag:s22], s20  }
0xa0: {  	s5 =	ssub.s32 $0x0, s20;
	[sflag:s22] =	ssyncset.done $0x0  }
0xa1: {  	[sflag:s22] =	ssyncadd.s32 s5;
	_ =	sdelay $0x1  }
0xa2: {  	s23 =	simm.s32 $0x1B8B  }
0xa3: {  	_ =	swait.ge [sflag:s23], $0x1  }
0xa4: {  	[sflag:s23] =	ssyncset.done $0x0  }
0xa5: {  	s25 =	simm.s32 $0x1B8E;
	s24 =	sld [smem:$0x3FFE];
	[sflag:s23] =	ssyncadd.s32 $0xFFFFFFFF  }
0xa6: {  	s26 =	simm.s32 $execute0_lowered;
	[smem:$0x3FD2] =	sst s25  }
0xa7: {  	s6 =	sshll.u32 s26, $0x1;
	_ =	strace $0x80000046;
	[dreg:$0x1] =	wrdreg $0xFFFFFFFF  }
0xa8: {  	s28 =	simm.s32 $_size_execute0_lowered;
	s4 =	sadd.s32 s4, s6;
	[dreg:$0x0] =	wrdreg $0x0  }
0xa9: {  	s6 =	sshll.u32 s28, $0x1;
	[dreg:$0x2] =	wrdreg s4  }
0xaa: {  	[dreg:$0x3] =	wrdreg s6  }
0xab: {  	[dreg:$0x4] =	wrdreg $0xC0  }
0xac: {  	_ =	task [dreg:s8], $0x5FFFF  }
0xad: {  	[dreg:$0x1] =	wrdreg $0xFFFFFFFF  }
0xae: {  	[dreg:$0x0] =	wrdreg $0x60  }
0xaf: {  	[dreg:$0x2] =	wrdreg s2  }
0xb0: {  	[dreg:$0x3] =	wrdreg s18  }
0xb1: {  	[dreg:$0x4] =	wrdreg s24  }
0xb2: {  	[dreg:$0x5] =	wrdreg $0x9  }
0xb3: {  	_ =	task.clear_ibuf [dreg:s8], $0x6FFFF;
	_ =	strace $0x90000046  }
0xb4: {  	s29 =	simm.s32 $0x9;
	_ =	strace $0x80000048  }
0xb5: {  	_ =	swait.ge [sflag:s29], $0x1  }
0xb6: {  	[sflag:s29] =	ssyncadd.s32 $0xFFFFFFFF  }
0xb7: {  	_ =	strace $0x90000048  }
0xb8: {  	_ =	sfence  }
0xb9: {  	s30 =	sld [smem:$0x0];
	_ =	sdelay $0x2  }
0xba: {  	s31 =	sshll.u32 s1, $0xD;
	s1 =	sshrl.u32 s1, $0x2  }
0xbb: {  	s3 =	sand.u32 $0x4000, s31;
	s1 =	sadd.s32 s1, s30  }
0xbc: {  	s0 =	sor.u32 s3, s0;
	s1 =	sshll.u32 s1, $0x11  }
0xbd: {  	s0 =	sor.u32 s1, s0  }
0xbe: {  	s0 =	sadd.s32 $0x8F2B, s0  }
0xbf: {  	[sflag:s0] =	ssyncadd.remote.s32 $0x1  }
0xc0: {  	_ =	sfence.sel $0xFFFF  }
0xc1: {  	[dreg:$0x0] =	wrdreg $0xFFFFFFFF;
	(pc) =	sbr.abs _section_cstart, $3  }
0xc2: {  	[dreg:$0x1] =	wrdreg $0xFFFFFFFF  }
0xc3: {  	_ =	task.clear_ibuf [dreg:s8], $0x2FFFF;
	_ =	strace $0x9FFFFFFF  }
0xc4: {  	(tm) =	ssettm $0x7FFFFFFF  }
0xc5: {  	_ =	shalt  }
tec
execute0_lowered:
.L_overlay_start_1:
0x0: {  	(tag) =	ssettag $0x1  }
0x1: {  	s0 =	srdreg.scid;
	s2 =	rddreg [dreg:$0x0]  }
0x2: {  	s6 =	stileid.u32;
	s23 =	rddreg [dreg:$0x2];
	s4 =	simm.s32 $0x0  }
0x3: {  	s12 =	simm.s32 $0x3;
	s13 =	simm.s32 $0x1000;
	s18 =	simm.s32 $0x0  }
0x4: {  	s21 =	simm.s32 $0x2900;
	s22 =	simm.s32 $0x3100;
	s28 =	simm.s32 $0x5900  }
0x5: {  	s29 =	simm.s32 $0x6100;
	s0 =	sand.u32 $0x1, s0;
	s1 =	sshll.u32 s6, $0x1  }
0x6: {  	s30 =	simm.s32 $0x6900;
	s31 =	simm.s32 $0x7100;
	s1 =	sor.u32 s0, s1  }
0x7: {  	s9 =	simm.s32 $0xA100;
	s15 =	simm.s32 $0xA900;
	s16 =	smul.u32 $0xC0, s1  }
0x8: {  	s10 =	simm.s32 $0xB100;
	s17 =	simm.s32 $0xB900;
	s7 =	smul.u32 $0x180, s6  }
0x9: {  	s5 =	ssub.s32 $0x2, s0;
	s0 =	smul.u32 $0xC0, s0;
	s3 =	sshrl.u32 s16, $0x3  }
0xa: {  	s14 =	simm.s32 $0xC100;
	[smem:$0x7FF] =	sst s4;
	s3 =	smul.u32 $0x300, s3  }
0xb: {  	s6 =	sadd.s32 $0x200, s2;
	_ =	strace $0x80000047;
	s24 =	sshrl.u32 s5, $0x1  }
0xc: {  	s0 =	sadd.s32 s0, s7;
	s7 =	simm.s32 $0x9100;
	s1 =	sadd.s32 s3, s23  }
0xd: {  	[dreg:$0x8] =	wrdreg s0;
	v1 =	vmov s16;
	s16 =	simm.s32 $0x1;
	s8 =	sadd.s32 $0x2600, s1  }
0xe: {  	s0 =	simm.s32 $0x1100;
	s25 =	sadd.s32 $0x3E00, s1;
	[dreg:$0x4] =	wrdreg s8  }
0xf: {  	s3 =	ssub.s32 s5, s24;
	s1 =	sadd.s32 $0x5600, s1;
	[dreg:$0x5] =	wrdreg s25  }
0x10: {  	v0 =	vlaneseq.u32;
	s5 =	sadd.s32 $0x100, s2;
	s26 =	smax.u32 s3, $0x1;
	[dreg:$0x6] =	wrdreg s1  }
0x11: {  	vm0 =	vmmov $0xffff;
	v3 =	vshrl.u32 v0, $0x3;
	s23 =	simm.s32 $0x3900;
	s24 =	simm.s32 $0x4100;
	[dreg:$0x7] =	wrdreg s26  }
0x12: {  	v2 =	vand.u32 $0x7, v0;
	v4 =	vor.u32 $0x8, v0;
	v3 =	vmul.u32 $0x8, v3;
	s25 =	simm.s32 $0x4900;
	s26 =	simm.s32 $0x5100;
	s8 =	simm.s32 $0x9900  }
.LBB2_1:
0x13: {  	s11 =	rddreg [dreg:$0x1]  }
0x14: {  	[tilespmem:s4], [sflag:$0x3] =	stream.linear.gather [hbm4b:s11+s4], $0x1000, $0x38;
	[tilespmem:$0x19100] =	vst v63  }
0x15: {  	_ =	swait.ge [sflag:s12], $0x1000  }
0x16: {  	[sflag:s12] =	ssyncset.done $0x0  }
0x17: {  	s19 =	simm.s32 $0x0;
	s11 =	rddreg [dreg:$0x8];
	[sflag:s12] =	ssyncadd.s32 $0xFFFFF000  }
.LBB2_2:
0x18: {  	p0 =	sne.s32 s19, $0x2C0  }
.Ltmp0:
0x19: {  	_ = 	snop;
	(pc) =	sbr.rel @p0 .LBB2_2-.Ltmp0, $4  }
0x1a: {  	_ = 	snop  }
0x1b: {  	v5 =	vor.u32 s11, v0  }
0x1c: {  	s20 =	sshra.s32 s19, $0x2;
	v5 =	vand.u32 $0x7FF, v5  }
0x1d: {  	s11 =	sadd.s32 $0x10, s11;
	s19 =	sadd.s32 $0x40, s19;
	[tilespmem:s20+$0x1000] =	vst v5  }
0x1e: {  	s19 =	simm.s32 $0x0  }
0x1f: {  	s11 =	simm.s32 $0x10;
	s20 =	simm.s32 $0x0;
	v5 =	vld [tilespmem:s19+$0x0]  }
.LBB2_4:
0x20: {  	p0 =	sne.s32 s11, $0xFF0;
	_ =	sdelay $0x3  }
0x21: {  	v5 =	vsub.s32 v5, v1  }
0x22: {  	vm1 =	vlt.u32 v5, $0xC0  }
0x23: {  	v5 =	vnsel vm1, $0x0, v5;
	_ =	sdelay $0x1  }
.Ltmp1:
0x24: {  	(pc) =	sbr.rel @p0 .LBB2_4-.Ltmp1, $4  }
0x25: {  	v6 =	vor.u32 s19, v0;
	s19 =	smov.u32 s11  }
0x26: {  	v6 =	vand.u32 $0x7FF, v6  }
0x27: {  	s20 =	sadd.s32 $0x10, s20;
	[tilespmem:v5+s13+$0x0] =	vst.idx.msk vm1, v6  }
0x28: {  	s11 =	sadd.s32 $0x10, s11;
	v5 =	vld [tilespmem:s20+$0x0]  }
0x29: {  	_ =	sdelay $0x3  }
0x2a: {  	v5 =	vsub.s32 v5, v1  }
0x2b: {  	vm1 =	vlt.u32 v5, $0xC0  }
0x2c: {  	v5 =	vnsel vm1, $0x0, v5;
	_ =	sdelay $0x2  }
0x2d: {  	v6 =	vor.u32 s19, v0  }
0x2e: {  	v6 =	vand.u32 $0x7FF, v6  }
0x2f: {  	[tilespmem:v5+s13+$0x0] =	vst.idx.msk vm1, v6  }
0x30: {  	v5 =	vld [tilespmem:$0x1000];
	_ =	sdelay $0x4  }
0x31: {  	v6 =	vshrl.u32 v5, $0x3  }
0x32: {  	v6 =	vmul.u32 $0x30, v6  }
0x33: {  	v5 =	vand.u32 $0x7, v5  }
0x34: {  	v5 =	vor.u32 v5, v6  }
0x35: {  	v6 =	vperm.xlane v5, v2;
	_ =	sdelay $0x1  }
0x36: {  	v6 =	vadd.s32 v3, v6;
	_ =	sdelay $0x3  }
0x37: {  	v5 =	vperm.xlane v5, v4  }
0x38: {  	[tilespmem:s0], [sflag:$0x1] =	stream.indirect_vreg.gather [hbm4b:s2+s4], $0x80, v6, vm0, $0xb8;
	[tilespmem:$0x19100] =	vst v63  }
0x39: {  	s19 =	simm.s32 $0x1900;
	v5 =	vadd.s32 v3, v5  }
0x3a: {  	[tilespmem:s19], [sflag:$0x1] =	stream.indirect_vreg.gather [hbm4b:s5+s4], $0x80, v6, vm0, $0xb8;
	[tilespmem:$0x19100] =	vst v63  }
0x3b: {  	s20 =	simm.s32 $0x2100  }
0x3c: {  	[tilespmem:s20], [sflag:$0x1] =	stream.indirect_vreg.gather [hbm4b:s6+s4], $0x80, v6, vm0, $0xb8;
	[tilespmem:$0x19100] =	vst v63  }
0x3d: {  	_ = 	snop  }
0x3e: {  	[tilespmem:s21], [sflag:$0x1] =	stream.indirect_vreg.gather [hbm4b:s2+s4], $0x80, v5, vm0, $0xb8;
	[tilespmem:$0x19100] =	vst v63  }
0x3f: {  	_ = 	snop  }
0x40: {  	[tilespmem:s22], [sflag:$0x1] =	stream.indirect_vreg.gather [hbm4b:s5+s4], $0x80, v5, vm0, $0xb8;
	[tilespmem:$0x19100] =	vst v63  }
0x41: {  	_ = 	snop  }
0x42: {  	[tilespmem:s23], [sflag:$0x1] =	stream.indirect_vreg.gather [hbm4b:s6+s4], $0x80, v5, vm0, $0xb8;
	[tilespmem:$0x19100] =	vst v63  }
0x43: {  	v5 =	vld [tilespmem:$0x1010];
	_ =	sdelay $0x4  }
0x44: {  	v6 =	vshrl.u32 v5, $0x3  }
0x45: {  	v6 =	vmul.u32 $0x30, v6  }
0x46: {  	v5 =	vand.u32 $0x7, v5  }
0x47: {  	v5 =	vor.u32 v5, v6  }
0x48: {  	v6 =	vperm.xlane v5, v2;
	_ =	sdelay $0x1  }
0x49: {  	v6 =	vadd.s32 v3, v6;
	_ =	sdelay $0x3  }
0x4a: {  	v5 =	vperm.xlane v5, v4  }
0x4b: {  	[tilespmem:s24], [sflag:$0x1] =	stream.indirect_vreg.gather [hbm4b:s2+s4], $0x80, v6, vm0, $0xb8;
	[tilespmem:$0x19100] =	vst v63  }
0x4c: {  	v5 =	vadd.s32 v3, v5  }
0x4d: {  	[tilespmem:s25], [sflag:$0x1] =	stream.indirect_vreg.gather [hbm4b:s5+s4], $0x80, v6, vm0, $0xb8;
	[tilespmem:$0x19100] =	vst v63  }
0x4e: {  	_ = 	snop  }
0x4f: {  	[tilespmem:s26], [sflag:$0x1] =	stream.indirect_vreg.gather [hbm4b:s6+s4], $0x80, v6, vm0, $0xb8;
	[tilespmem:$0x19100] =	vst v63  }
0x50: {  	_ = 	snop  }
0x51: {  	[tilespmem:s28], [sflag:$0x1] =	stream.indirect_vreg.gather [hbm4b:s2+s4], $0x80, v5, vm0, $0xb8;
	[tilespmem:$0x19100] =	vst v63  }
0x52: {  	_ = 	snop  }
0x53: {  	[tilespmem:s29], [sflag:$0x1] =	stream.indirect_vreg.gather [hbm4b:s5+s4], $0x80, v5, vm0, $0xb8;
	[tilespmem:$0x19100] =	vst v63  }
0x54: {  	_ = 	snop  }
0x55: {  	[tilespmem:s30], [sflag:$0x1] =	stream.indirect_vreg.gather [hbm4b:s6+s4], $0x80, v5, vm0, $0xb8;
	[tilespmem:$0x19100] =	vst v63  }
0x56: {  	v5 =	vld [tilespmem:$0x1020];
	_ =	sdelay $0x4  }
0x57: {  	v6 =	vshrl.u32 v5, $0x3  }
0x58: {  	v6 =	vmul.u32 $0x30, v6  }
0x59: {  	v5 =	vand.u32 $0x7, v5  }
0x5a: {  	v5 =	vor.u32 v5, v6  }
0x5b: {  	v6 =	vperm.xlane v5, v2;
	_ =	sdelay $0x1  }
0x5c: {  	v6 =	vadd.s32 v3, v6;
	_ =	sdelay $0x3  }
0x5d: {  	v5 =	vperm.xlane v5, v4  }
0x5e: {  	[tilespmem:s31], [sflag:$0x1] =	stream.indirect_vreg.gather [hbm4b:s2+s4], $0x80, v6, vm0, $0xb8;
	[tilespmem:$0x19100] =	vst v63  }
0x5f: {  	s1 =	simm.s32 $0x7900;
	v5 =	vadd.s32 v3, v5  }
0x60: {  	[tilespmem:s1], [sflag:$0x1] =	stream.indirect_vreg.gather [hbm4b:s5+s4], $0x80, v6, vm0, $0xb8;
	[tilespmem:$0x19100] =	vst v63  }
0x61: {  	s3 =	simm.s32 $0x8100  }
0x62: {  	[tilespmem:s3], [sflag:$0x1] =	stream.indirect_vreg.gather [hbm4b:s6+s4], $0x80, v6, vm0, $0xb8;
	[tilespmem:$0x19100] =	vst v63  }
0x63: {  	s3 =	simm.s32 $0x8900  }
0x64: {  	[tilespmem:s3], [sflag:$0x1] =	stream.indirect_vreg.gather [hbm4b:s2+s4], $0x80, v5, vm0, $0xb8;
	[tilespmem:$0x19100] =	vst v63  }
0x65: {  	_ = 	snop  }
0x66: {  	[tilespmem:s7], [sflag:$0x1] =	stream.indirect_vreg.gather [hbm4b:s5+s4], $0x80, v5, vm0, $0xb8;
	[tilespmem:$0x19100] =	vst v63  }
0x67: {  	_ = 	snop  }
0x68: {  	[tilespmem:s8], [sflag:$0x1] =	stream.indirect_vreg.gather [hbm4b:s6+s4], $0x80, v5, vm0, $0xb8;
	[tilespmem:$0x19100] =	vst v63  }
0x69: {  	v5 =	vld [tilespmem:$0x1030];
	_ =	sdelay $0x4  }
0x6a: {  	v6 =	vshrl.u32 v5, $0x3  }
0x6b: {  	v6 =	vmul.u32 $0x30, v6  }
0x6c: {  	v5 =	vand.u32 $0x7, v5  }
0x6d: {  	v5 =	vor.u32 v5, v6  }
0x6e: {  	v6 =	vperm.xlane v5, v2;
	_ =	sdelay $0x1  }
0x6f: {  	v6 =	vadd.s32 v3, v6;
	_ =	sdelay $0x3  }
0x70: {  	v5 =	vperm.xlane v5, v4  }
0x71: {  	[tilespmem:s9], [sflag:$0x1] =	stream.indirect_vreg.gather [hbm4b:s2+s4], $0x80, v6, vm0, $0xb8;
	[tilespmem:$0x19100] =	vst v63  }
0x72: {  	v5 =	vadd.s32 v3, v5  }
0x73: {  	[tilespmem:s15], [sflag:$0x1] =	stream.indirect_vreg.gather [hbm4b:s5+s4], $0x80, v6, vm0, $0xb8;
	[tilespmem:$0x19100] =	vst v63  }
0x74: {  	_ = 	snop  }
0x75: {  	[tilespmem:s10], [sflag:$0x1] =	stream.indirect_vreg.gather [hbm4b:s6+s4], $0x80, v6, vm0, $0xb8;
	[tilespmem:$0x19100] =	vst v63  }
0x76: {  	_ = 	snop  }
0x77: {  	[tilespmem:s17], [sflag:$0x1] =	stream.indirect_vreg.gather [hbm4b:s2+s4], $0x80, v5, vm0, $0xb8;
	[tilespmem:$0x19100] =	vst v63  }
0x78: {  	_ = 	snop  }
0x79: {  	[tilespmem:s14], [sflag:$0x1] =	stream.indirect_vreg.gather [hbm4b:s5+s4], $0x80, v5, vm0, $0xb8;
	[tilespmem:$0x19100] =	vst v63  }
0x7a: {  	s11 =	simm.s32 $0xC900  }
0x7b: {  	[tilespmem:s11], [sflag:$0x1] =	stream.indirect_vreg.gather [hbm4b:s6+s4], $0x80, v5, vm0, $0xb8;
	[tilespmem:$0x19100] =	vst v63  }
0x7c: {  	v5 =	vld [tilespmem:$0x1040];
	_ =	sdelay $0x4  }
0x7d: {  	v6 =	vshrl.u32 v5, $0x3  }
0x7e: {  	v6 =	vmul.u32 $0x30, v6  }
0x7f: {  	v5 =	vand.u32 $0x7, v5  }
0x80: {  	v5 =	vor.u32 v5, v6  }
0x81: {  	v6 =	vperm.xlane v5, v2;
	_ =	sdelay $0x1  }
0x82: {  	v6 =	vadd.s32 v3, v6;
	_ =	sdelay $0x3  }
0x83: {  	s1 =	simm.s32 $0xD100;
	v5 =	vperm.xlane v5, v4  }
0x84: {  	[tilespmem:s1], [sflag:$0x2] =	stream.indirect_vreg.gather [hbm4b:s2+s4], $0x80, v6, vm0, $0xb8;
	[tilespmem:$0x19100] =	vst v63  }
0x85: {  	s11 =	simm.s32 $0xD900;
	v5 =	vadd.s32 v3, v5  }
0x86: {  	[tilespmem:s11], [sflag:$0x2] =	stream.indirect_vreg.gather [hbm4b:s5+s4], $0x80, v6, vm0, $0xb8;
	[tilespmem:$0x19100] =	vst v63  }
0x87: {  	s11 =	simm.s32 $0xE100  }
0x88: {  	[tilespmem:s11], [sflag:$0x2] =	stream.indirect_vreg.gather [hbm4b:s6+s4], $0x80, v6, vm0, $0xb8;
	[tilespmem:$0x19100] =	vst v63  }
0x89: {  	s11 =	simm.s32 $0xE900  }
0x8a: {  	[tilespmem:s11], [sflag:$0x2] =	stream.indirect_vreg.gather [hbm4b:s2+s4], $0x80, v5, vm0, $0xb8;
	[tilespmem:$0x19100] =	vst v63  }
0x8b: {  	s11 =	simm.s32 $0xF100  }
0x8c: {  	[tilespmem:s11], [sflag:$0x2] =	stream.indirect_vreg.gather [hbm4b:s5+s4], $0x80, v5, vm0, $0xb8;
	[tilespmem:$0x19100] =	vst v63  }
0x8d: {  	s11 =	simm.s32 $0xF900  }
0x8e: {  	[tilespmem:s11], [sflag:$0x2] =	stream.indirect_vreg.gather [hbm4b:s6+s4], $0x80, v5, vm0, $0xb8;
	[tilespmem:$0x19100] =	vst v63  }
0x8f: {  	v5 =	vld [tilespmem:$0x1050];
	_ =	sdelay $0x4  }
0x90: {  	v6 =	vshrl.u32 v5, $0x3  }
0x91: {  	v6 =	vmul.u32 $0x30, v6  }
0x92: {  	v5 =	vand.u32 $0x7, v5  }
0x93: {  	v5 =	vor.u32 v5, v6  }
0x94: {  	v6 =	vperm.xlane v5, v2;
	_ =	sdelay $0x1  }
0x95: {  	v6 =	vadd.s32 v3, v6;
	_ =	sdelay $0x3  }
0x96: {  	s11 =	simm.s32 $0x10100;
	v5 =	vperm.xlane v5, v4  }
0x97: {  	[tilespmem:s11], [sflag:$0x2] =	stream.indirect_vreg.gather [hbm4b:s2+s4], $0x80, v6, vm0, $0xb8;
	[tilespmem:$0x19100] =	vst v63  }
0x98: {  	v5 =	vadd.s32 v3, v5;
	s11 =	simm.s32 $0x10900  }
0x99: {  	[tilespmem:s11], [sflag:$0x2] =	stream.indirect_vreg.gather [hbm4b:s5+s4], $0x80, v6, vm0, $0xb8;
	[tilespmem:$0x19100] =	vst v63  }
0x9a: {  	s11 =	simm.s32 $0x11100  }
0x9b: {  	[tilespmem:s11], [sflag:$0x2] =	stream.indirect_vreg.gather [hbm4b:s6+s4], $0x80, v6, vm0, $0xb8;
	[tilespmem:$0x19100] =	vst v63  }
0x9c: {  	s11 =	simm.s32 $0x11900  }
0x9d: {  	[tilespmem:s11], [sflag:$0x2] =	stream.indirect_vreg.gather [hbm4b:s2+s4], $0x80, v5, vm0, $0xb8;
	[tilespmem:$0x19100] =	vst v63  }
0x9e: {  	s11 =	simm.s32 $0x12100  }
0x9f: {  	[tilespmem:s11], [sflag:$0x2] =	stream.indirect_vreg.gather [hbm4b:s5+s4], $0x80, v5, vm0, $0xb8;
	[tilespmem:$0x19100] =	vst v63  }
0xa0: {  	s11 =	simm.s32 $0x12900  }
0xa1: {  	[tilespmem:s11], [sflag:$0x2] =	stream.indirect_vreg.gather [hbm4b:s6+s4], $0x80, v5, vm0, $0xb8;
	[tilespmem:$0x19100] =	vst v63  }
0xa2: {  	v5 =	vld [tilespmem:$0x1060];
	_ =	sdelay $0x4  }
0xa3: {  	v6 =	vshrl.u32 v5, $0x3  }
0xa4: {  	v6 =	vmul.u32 $0x30, v6  }
0xa5: {  	v5 =	vand.u32 $0x7, v5  }
0xa6: {  	v5 =	vor.u32 v5, v6  }
0xa7: {  	v6 =	vperm.xlane v5, v2;
	_ =	sdelay $0x1  }
0xa8: {  	v6 =	vadd.s32 v3, v6;
	_ =	sdelay $0x3  }
0xa9: {  	s11 =	simm.s32 $0x13100;
	v5 =	vperm.xlane v5, v4  }
0xaa: {  	[tilespmem:s11], [sflag:$0x2] =	stream.indirect_vreg.gather [hbm4b:s2+s4], $0x80, v6, vm0, $0xb8;
	[tilespmem:$0x19100] =	vst v63  }
0xab: {  	v5 =	vadd.s32 v3, v5;
	s11 =	simm.s32 $0x13900  }
0xac: {  	[tilespmem:s11], [sflag:$0x2] =	stream.indirect_vreg.gather [hbm4b:s5+s4], $0x80, v6, vm0, $0xb8;
	[tilespmem:$0x19100] =	vst v63  }
0xad: {  	s11 =	simm.s32 $0x14100  }
0xae: {  	[tilespmem:s11], [sflag:$0x2] =	stream.indirect_vreg.gather [hbm4b:s6+s4], $0x80, v6, vm0, $0xb8;
	[tilespmem:$0x19100] =	vst v63  }
0xaf: {  	s11 =	simm.s32 $0x14900  }
0xb0: {  	[tilespmem:s11], [sflag:$0x2] =	stream.indirect_vreg.gather [hbm4b:s2+s4], $0x80, v5, vm0, $0xb8;
	[tilespmem:$0x19100] =	vst v63  }
0xb1: {  	s11 =	simm.s32 $0x15100  }
0xb2: {  	[tilespmem:s11], [sflag:$0x2] =	stream.indirect_vreg.gather [hbm4b:s5+s4], $0x80, v5, vm0, $0xb8;
	[tilespmem:$0x19100] =	vst v63  }
0xb3: {  	s11 =	simm.s32 $0x15900  }
0xb4: {  	[tilespmem:s11], [sflag:$0x2] =	stream.indirect_vreg.gather [hbm4b:s6+s4], $0x80, v5, vm0, $0xb8;
	[tilespmem:$0x19100] =	vst v63  }
0xb5: {  	v5 =	vld [tilespmem:$0x1070];
	_ =	sdelay $0x4  }
0xb6: {  	v6 =	vshrl.u32 v5, $0x3  }
0xb7: {  	v6 =	vmul.u32 $0x30, v6  }
0xb8: {  	v5 =	vand.u32 $0x7, v5  }
0xb9: {  	v5 =	vor.u32 v5, v6  }
0xba: {  	v6 =	vperm.xlane v5, v2;
	_ =	sdelay $0x1  }
0xbb: {  	v6 =	vadd.s32 v3, v6;
	_ =	sdelay $0x3  }
0xbc: {  	s11 =	simm.s32 $0x16100;
	v5 =	vperm.xlane v5, v4  }
0xbd: {  	[tilespmem:s11], [sflag:$0x2] =	stream.indirect_vreg.gather [hbm4b:s2+s4], $0x80, v6, vm0, $0xb8;
	[tilespmem:$0x19100] =	vst v63  }
0xbe: {  	v5 =	vadd.s32 v3, v5;
	s11 =	simm.s32 $0x16900  }
0xbf: {  	[tilespmem:s11], [sflag:$0x2] =	stream.indirect_vreg.gather [hbm4b:s5+s4], $0x80, v6, vm0, $0xb8;
	[tilespmem:$0x19100] =	vst v63  }
0xc0: {  	s11 =	simm.s32 $0x17100  }
0xc1: {  	[tilespmem:s11], [sflag:$0x2] =	stream.indirect_vreg.gather [hbm4b:s6+s4], $0x80, v6, vm0, $0xb8;
	[tilespmem:$0x19100] =	vst v63  }
0xc2: {  	s11 =	simm.s32 $0x17900  }
0xc3: {  	[tilespmem:s11], [sflag:$0x2] =	stream.indirect_vreg.gather [hbm4b:s2+s4], $0x80, v5, vm0, $0xb8;
	[tilespmem:$0x19100] =	vst v63  }
0xc4: {  	s11 =	simm.s32 $0x18100  }
0xc5: {  	[tilespmem:s11], [sflag:$0x2] =	stream.indirect_vreg.gather [hbm4b:s5+s4], $0x80, v5, vm0, $0xb8;
	[tilespmem:$0x19100] =	vst v63  }
0xc6: {  	s11 =	simm.s32 $0x18900  }
0xc7: {  	[tilespmem:s11], [sflag:$0x2] =	stream.indirect_vreg.gather [hbm4b:s6+s4], $0x80, v5, vm0, $0xb8;
	[tilespmem:$0x19100] =	vst v63  }
0xc8: {  	_ =	swait.ge [sflag:s16], $0xC000  }
0xc9: {  	[sflag:s16] =	ssyncset.done $0x0  }
0xca: {  	s11 =	rddreg [dreg:$0x4];
	[sflag:s16] =	ssyncadd.s32 $0xFFFF4000  }
0xcb: {  	[hbm4b:s11+s4] =	stream.linear.scatter [tilespmem:s0], [sflag:$0x3], $0xC000, $0x38;
	[tilespmem:$0x19100] =	vst v63  }
0xcc: {  	_ =	swait.ge [sflag:s12], $0xC000  }
0xcd: {  	[sflag:s12] =	ssyncset.done $0x0  }
0xce: {  	[sflag:s12] =	ssyncadd.s32 $0xFFFF4000  }
0xcf: {  	v5 =	vld [tilespmem:$0x1080];
	_ =	sdelay $0x4  }
0xd0: {  	v6 =	vshrl.u32 v5, $0x3  }
0xd1: {  	v6 =	vmul.u32 $0x30, v6  }
0xd2: {  	v5 =	vand.u32 $0x7, v5  }
0xd3: {  	v5 =	vor.u32 v5, v6  }
0xd4: {  	v6 =	vperm.xlane v5, v2;
	_ =	sdelay $0x1  }
0xd5: {  	v6 =	vadd.s32 v3, v6;
	_ =	sdelay $0x3  }
0xd6: {  	v5 =	vperm.xlane v5, v4  }
0xd7: {  	[tilespmem:s0], [sflag:$0x1] =	stream.indirect_vreg.gather [hbm4b:s2+s4], $0x80, v6, vm0, $0xb8;
	[tilespmem:$0x19100] =	vst v63  }
0xd8: {  	v5 =	vadd.s32 v3, v5  }
0xd9: {  	[tilespmem:s19], [sflag:$0x1] =	stream.indirect_vreg.gather [hbm4b:s5+s4], $0x80, v6, vm0, $0xb8;
	[tilespmem:$0x19100] =	vst v63  }
0xda: {  	_ = 	snop  }
0xdb: {  	[tilespmem:s20], [sflag:$0x1] =	stream.indirect_vreg.gather [hbm4b:s6+s4], $0x80, v6, vm0, $0xb8;
	[tilespmem:$0x19100] =	vst v63  }
0xdc: {  	_ = 	snop  }
0xdd: {  	[tilespmem:s21], [sflag:$0x1] =	stream.indirect_vreg.gather [hbm4b:s2+s4], $0x80, v5, vm0, $0xb8;
	[tilespmem:$0x19100] =	vst v63  }
0xde: {  	_ = 	snop  }
0xdf: {  	[tilespmem:s22], [sflag:$0x1] =	stream.indirect_vreg.gather [hbm4b:s5+s4], $0x80, v5, vm0, $0xb8;
	[tilespmem:$0x19100] =	vst v63  }
0xe0: {  	_ = 	snop  }
0xe1: {  	[tilespmem:s23], [sflag:$0x1] =	stream.indirect_vreg.gather [hbm4b:s6+s4], $0x80, v5, vm0, $0xb8;
	[tilespmem:$0x19100] =	vst v63  }
0xe2: {  	v5 =	vld [tilespmem:$0x1090];
	_ =	sdelay $0x4  }
0xe3: {  	v6 =	vshrl.u32 v5, $0x3  }
0xe4: {  	v6 =	vmul.u32 $0x30, v6  }
0xe5: {  	v5 =	vand.u32 $0x7, v5  }
0xe6: {  	v5 =	vor.u32 v5, v6  }
0xe7: {  	v6 =	vperm.xlane v5, v2;
	_ =	sdelay $0x1  }
0xe8: {  	v6 =	vadd.s32 v3, v6;
	_ =	sdelay $0x3  }
0xe9: {  	v5 =	vperm.xlane v5, v4  }
0xea: {  	[tilespmem:s24], [sflag:$0x1] =	stream.indirect_vreg.gather [hbm4b:s2+s4], $0x80, v6, vm0, $0xb8;
	[tilespmem:$0x19100] =	vst v63  }
0xeb: {  	v5 =	vadd.s32 v3, v5  }
0xec: {  	[tilespmem:s25], [sflag:$0x1] =	stream.indirect_vreg.gather [hbm4b:s5+s4], $0x80, v6, vm0, $0xb8;
	[tilespmem:$0x19100] =	vst v63  }
0xed: {  	_ = 	snop  }
0xee: {  	[tilespmem:s26], [sflag:$0x1] =	stream.indirect_vreg.gather [hbm4b:s6+s4], $0x80, v6, vm0, $0xb8;
	[tilespmem:$0x19100] =	vst v63  }
0xef: {  	_ = 	snop  }
0xf0: {  	[tilespmem:s28], [sflag:$0x1] =	stream.indirect_vreg.gather [hbm4b:s2+s4], $0x80, v5, vm0, $0xb8;
	[tilespmem:$0x19100] =	vst v63  }
0xf1: {  	_ = 	snop  }
0xf2: {  	[tilespmem:s29], [sflag:$0x1] =	stream.indirect_vreg.gather [hbm4b:s5+s4], $0x80, v5, vm0, $0xb8;
	[tilespmem:$0x19100] =	vst v63  }
0xf3: {  	_ = 	snop  }
0xf4: {  	[tilespmem:s30], [sflag:$0x1] =	stream.indirect_vreg.gather [hbm4b:s6+s4], $0x80, v5, vm0, $0xb8;
	[tilespmem:$0x19100] =	vst v63  }
0xf5: {  	v5 =	vld [tilespmem:$0x10A0];
	_ =	sdelay $0x4  }
0xf6: {  	v6 =	vshrl.u32 v5, $0x3  }
0xf7: {  	v6 =	vmul.u32 $0x30, v6  }
0xf8: {  	v5 =	vand.u32 $0x7, v5  }
0xf9: {  	v5 =	vor.u32 v5, v6  }
0xfa: {  	v6 =	vperm.xlane v5, v2;
	_ =	sdelay $0x1  }
0xfb: {  	v6 =	vadd.s32 v3, v6;
	_ =	sdelay $0x3  }
0xfc: {  	v5 =	vperm.xlane v5, v4  }
0xfd: {  	[tilespmem:s31], [sflag:$0x1] =	stream.indirect_vreg.gather [hbm4b:s2+s4], $0x80, v6, vm0, $0xb8;
	[tilespmem:$0x19100] =	vst v63  }
0xfe: {  	s19 =	simm.s32 $0x7900;
	v5 =	vadd.s32 v3, v5  }
0xff: {  	[tilespmem:s19], [sflag:$0x1] =	stream.indirect_vreg.gather [hbm4b:s5+s4], $0x80, v6, vm0, $0xb8;
	[tilespmem:$0x19100] =	vst v63  }
0x100: {  	s20 =	simm.s32 $0x8100  }
0x101: {  	[tilespmem:s20], [sflag:$0x1] =	stream.indirect_vreg.gather [hbm4b:s6+s4], $0x80, v6, vm0, $0xb8;
	[tilespmem:$0x19100] =	vst v63  }
0x102: {  	_ = 	snop  }
0x103: {  	[tilespmem:s3], [sflag:$0x1] =	stream.indirect_vreg.gather [hbm4b:s2+s4], $0x80, v5, vm0, $0xb8;
	[tilespmem:$0x19100] =	vst v63  }
0x104: {  	_ = 	snop  }
0x105: {  	[tilespmem:s7], [sflag:$0x1] =	stream.indirect_vreg.gather [hbm4b:s5+s4], $0x80, v5, vm0, $0xb8;
	[tilespmem:$0x19100] =	vst v63  }
0x106: {  	_ = 	snop  }
0x107: {  	[tilespmem:s8], [sflag:$0x1] =	stream.indirect_vreg.gather [hbm4b:s6+s4], $0x80, v5, vm0, $0xb8;
	[tilespmem:$0x19100] =	vst v63  }
0x108: {  	v5 =	vld [tilespmem:$0x10B0];
	_ =	sdelay $0x4  }
0x109: {  	v6 =	vshrl.u32 v5, $0x3  }
0x10a: {  	v6 =	vmul.u32 $0x30, v6  }
0x10b: {  	v5 =	vand.u32 $0x7, v5  }
0x10c: {  	v5 =	vor.u32 v5, v6  }
0x10d: {  	v6 =	vperm.xlane v5, v2;
	_ =	sdelay $0x1  }
0x10e: {  	v6 =	vadd.s32 v3, v6;
	_ =	sdelay $0x3  }
0x10f: {  	v5 =	vperm.xlane v5, v4  }
0x110: {  	[tilespmem:s9], [sflag:$0x1] =	stream.indirect_vreg.gather [hbm4b:s2+s4], $0x80, v6, vm0, $0xb8;
	[tilespmem:$0x19100] =	vst v63  }
0x111: {  	v5 =	vadd.s32 v3, v5  }
0x112: {  	[tilespmem:s15], [sflag:$0x1] =	stream.indirect_vreg.gather [hbm4b:s5+s4], $0x80, v6, vm0, $0xb8;
	[tilespmem:$0x19100] =	vst v63  }
0x113: {  	_ = 	snop  }
0x114: {  	[tilespmem:s10], [sflag:$0x1] =	stream.indirect_vreg.gather [hbm4b:s6+s4], $0x80, v6, vm0, $0xb8;
	[tilespmem:$0x19100] =	vst v63  }
0x115: {  	_ = 	snop  }
0x116: {  	[tilespmem:s17], [sflag:$0x1] =	stream.indirect_vreg.gather [hbm4b:s2+s4], $0x80, v5, vm0, $0xb8;
	[tilespmem:$0x19100] =	vst v63  }
0x117: {  	_ = 	snop  }
0x118: {  	[tilespmem:s14], [sflag:$0x1] =	stream.indirect_vreg.gather [hbm4b:s5+s4], $0x80, v5, vm0, $0xb8;
	[tilespmem:$0x19100] =	vst v63  }
0x119: {  	s19 =	simm.s32 $0xC900;
	s20 =	simm.s32 $0x2  }
0x11a: {  	[tilespmem:s19], [sflag:$0x1] =	stream.indirect_vreg.gather [hbm4b:s6+s4], $0x80, v5, vm0, $0xb8;
	[tilespmem:$0x19100] =	vst v63  }
0x11b: {  	_ =	swait.ge [sflag:s20], $0xC000  }
0x11c: {  	[sflag:s20] =	ssyncset.done $0x0  }
0x11d: {  	s3 =	rddreg [dreg:$0x5];
	[sflag:s20] =	ssyncadd.s32 $0xFFFF4000  }
0x11e: {  	[hbm4b:s3+s4] =	stream.linear.scatter [tilespmem:s1], [sflag:$0x3], $0xC000, $0x38;
	[tilespmem:$0x19100] =	vst v63  }
0x11f: {  	_ =	swait.ge [sflag:s12], $0xC000  }
0x120: {  	[sflag:s12] =	ssyncset.done $0x0  }
0x121: {  	[sflag:s12] =	ssyncadd.s32 $0xFFFF4000  }
0x122: {  	_ =	swait.ge [sflag:s16], $0xC000  }
0x123: {  	[sflag:s16] =	ssyncset.done $0x0  }
0x124: {  	s19 =	rddreg [dreg:$0x6];
	[sflag:s16] =	ssyncadd.s32 $0xFFFF4000  }
0x125: {  	[hbm4b:s19+s4] =	stream.linear.scatter [tilespmem:s0], [sflag:$0x3], $0xC000, $0x38;
	[tilespmem:$0x19100] =	vst v63  }
0x126: {  	_ =	swait.ge [sflag:s12], $0xC000  }
0x127: {  	s18 =	sadd.s32 $0x1, s18;
	s20 =	rddreg [dreg:$0x7]  }
0x128: {  	p0 =	sne.s32 s18, s20  }
.Ltmp2:
0x129: {  	_ = 	snop;
	(pc) =	sbr.rel @p0 .LBB2_1-.Ltmp2, $3  }
0x12a: {  	_ =	sdelay $0x1  }
0x12b: {  	[sflag:s12] =	ssyncset.done $0x0  }
0x12c: {  	[sflag:s12] =	ssyncadd.s32 $0xFFFF4000  }
0x12d: {  	_ =	sfence.sel $0x180000  }
0x12e: {  	[bflag:$0x0] =	sbarrier.arrive $0xFFFF  }
0x12f: {  	_ =	strace $0x90000047  }
0x130: {  	s0 =	stileid.u32;
	[bflag:$0x2] =	sbarrier.arrive $0xFFFF  }
0x131: {  	p0 =	sne.s32 s0, $0x0;
	s0 =	rddreg [dreg:$0x3]  }
0x132: {  	s0 =	sadd.s32 @!p0 $0x100000, s0  }
0x133: {  	[sflag:s0] =	ssyncadd.tile.s32 @!p0 $0x1;
	_ =	shalt  }
.Lfunc_end2:
_tile_overlayer_lowered:
.L_overlay_start_2:
0x134: {  	(tag) =	ssettag $0x2  }
0x135: {  	s0 =	rddreg [dreg:$0x0];
	s2 =	stileid.u32  }
0x136: {  	s1 =	rddreg [dreg:$0x1];
	p0 =	sne.s32 s2, $0x0  }
0x137: {  	s3 =	rddreg [dreg:$0x2];
	[bflag:$0x3] =	sbarrier.arrive $0xFFFF;
	s2 =	simm.s32 @!p0 $0x1C03  }
0x138: {  	[timem:s3], [sflag:s2] =	dma.local @!p0 [hbm:s0], s1  }
0x139: {  	s0 =	simm.s32 @!p0 $0x3  }
0x13a: {  	_ =	swait.ge @!p0 [sflag:s0], s1  }
0x13b: {  	s1 =	ssub.s32 @!p0 $0x0, s1;
	[sflag:s0] =	ssyncset.done @!p0 $0x0  }
0x13c: {  	[sflag:s0] =	ssyncadd.s32 @!p0 s1  }
0x13d: {  	[bflag:$0x3] =	sbarrier.arrive $0xFFFF  }
0x13e: {  	_ =	shalt  }

// kernel: sc_gather4096.3.cloned.1.call-start
scs
__scs_entry_jumppad:
0x0: {  	(pc) =	sbr.rel $0x88, $3  }
0x1: {  	(tag) =	ssettag $0x0;
	lr =	simm.s32 $0x1  }
0x2: {  	[smem:$0x3F97] =	sst lr;
	_ =	strace $0xD0000000  }
0x3: {  	_ = 	snop  }
0x4: {  	_ = 	snop  }
0x5: {  	_ = 	snop  }
0x6: {  	_ = 	snop  }
0x7: {  	_ = 	snop  }
__scs_overlays_trampoline_lowered:
0x8: {  	[smem:$0x3FA6] =	sst s0  }
0x9: {  	[smem:$0x3FA7] =	sst s1  }
0xa: {  	[smem:$0x3FA8] =	sst s2  }
0xb: {  	[smem:$0x3FA9] =	sst s3  }
0xc: {  	[smem:$0x3FAA] =	sst s4  }
0xd: {  	[smem:$0x3FAB] =	sst s5  }
0xe: {  	[smem:$0x3FAC] =	sst s6  }
0xf: {  	[smem:$0x3FAD] =	sst s7  }
0x10: {  	[smem:$0x3FAE] =	sst s8  }
0x11: {  	[smem:$0x3FAF] =	sst s9;
	s0 =	simm.s32 @!p0 $0x0  }
0x12: {  	s1 =	sld [smem:$0x3F95];
	s0 =	simm.s32 @p0 $0x1  }
0x13: {  	[smem:$0x3FB0] =	sst s0;
	s0 =	simm.s32 @!p1 $0x0  }
0x14: {  	s2 =	sld [smem:$0x3F94];
	s0 =	simm.s32 @p1 $0x1  }
0x15: {  	[smem:$0x3FB1] =	sst s0;
	s0 =	simm.s32 @!p2 $0x0  }
0x16: {  	s3 =	sld [smem:$0x3FDB];
	s0 =	simm.s32 @p2 $0x1  }
0x17: {  	s4 =	simm.s32 $0x1BF5;
	[smem:$0x3FB3] =	sst s0  }
0x18: {  	s0 =	sld [smem:$0x3F96];
	_ =	swait.ge [sflag:s4], $0x0  }
0x19: {  	s7 =	sld [smem:$0x3F97]  }
0x1a: {  	s8 =	sadd.s32 $0xFFFFE003, lr  }
0x1b: {  	s9 =	sadd.s32 $0xFFFFFEF7, lr;
	s5 =	simm.s32 $0xFFFFFFFF;
	p2 =	slt.u32 s8, $0xFFFFF086  }
0x1c: {  	p1 =	slt.u32 s9, $0xF7A;
	s5 =	simm.s32 @!p2 $0x0  }
0x1d: {  	s5 =	simm.s32 @p1 $0x1;
	p0 =	seq.s32 s7, s2  }
0x1e: {  	s7 =	smul.u32 @!p0 $0xF7A, s2;
	p2 =	seq.s32 @!p0 s5, $0x0  }
0x1f: {  	s9 =	smul.u32 $0xF7A, s1;
	s8 =	simm.s32 @!p0 $0x1BF5;
	p2 =	por !p2, p0  }
0x20: {  	[sflag:s8] =	ssyncset.s32 @!p0 $0xFFFFF086;
	s6 =	sadd.s32 @!p0 s3, s7;
	s7 =	simm.s32 @!p0 $0x108  }
0x21: {  	s3 =	sadd.s32 s3, s9;
	s6 =	sadd.s32 @!p0 $0x88, s6;
	s7 =	simm.s32 @p2 $0x1082  }
0x22: {  	[simem:s7], [sflag:s8] =	dma.local @!p0 [hbm:s6], $0xF7A  }
0x23: {  	s9 =	sor.u32 $0xD0000000, s2;
	s6 =	simm.s32 $0x108;
	_ =	swait.ge @!p0 [sflag:s8], $0x0  }
0x24: {  	s3 =	sadd.s32 $0x88, s3;
	s6 =	simm.s32 @!p1 $0x1082;
	[sflag:s4] =	ssyncset.s32 $0xFFFFF086  }
0x25: {  	[simem:s6], [sflag:s4] =	dma.local [hbm:s3], $0xF7A  }
0x26: {  	[smem:$0x3F97] =	sst s1;
	(tag) =	ssettag s2;
	_ =	strace s9  }
0x27: {  	s1 =	sld [smem:$0x3FA7]  }
0x28: {  	s2 =	sld [smem:$0x3FA8]  }
0x29: {  	s4 =	sld [smem:$0x3FAA]  }
0x2a: {  	p0 =	seq.s32 s5, $0x0;
	s5 =	sld [smem:$0x3FAB]  }
0x2b: {  	s6 =	sld [smem:$0x3FAC]  }
0x2c: {  	s7 =	sld [smem:$0x3FAD]  }
0x2d: {  	s3 =	simm.s32 $0x108;
	s8 =	sld [smem:$0x3FAE]  }
0x2e: {  	s3 =	simm.s32 @!p0 $0x1082;
	s9 =	sld [smem:$0x3FAF]  }
0x2f: {  	lr =	sadd.s32 s0, s3;
	s0 =	sld [smem:$0x3FA6]  }
0x30: {  	s3 =	sld [smem:$0x3FA9]  }
0x31: {  	[smem:$0x3FB2] =	sst s10  }
0x32: {  	s10 =	sld [smem:$0x3FB0];
	_ =	sdelay $0x3  }
0x33: {  	p0 =	seq.s32 s10, $0x1;
	s10 =	sld [smem:$0x3FB2];
	_ =	sdelay $0x3  }
0x34: {  	[smem:$0x3FB2] =	sst s10  }
0x35: {  	s10 =	sld [smem:$0x3FB1];
	_ =	sdelay $0x3  }
0x36: {  	p1 =	seq.s32 s10, $0x1;
	s10 =	sld [smem:$0x3FB2];
	_ =	sdelay $0x3  }
0x37: {  	[smem:$0x3FB2] =	sst s10  }
0x38: {  	s10 =	sld [smem:$0x3FB3]  }
0x39: {  	_ = 	snop;
	(pc) =	sbr.ind lr, $3  }
0x3a: {  	_ = 	snop  }
0x3b: {  	_ = 	snop  }
0x3c: {  	p2 =	seq.s32 s10, $0x1;
	s10 =	sld [smem:$0x3FB2]  }
0x3d: {  	_ =	shalt  }
0x3e: {  	_ =	shalt  }
0x3f: {  	_ =	shalt  }
0x40: {  	_ =	shalt  }
0x41: {  	_ =	shalt  }
0x42: {  	_ =	shalt  }
0x43: {  	_ =	shalt  }
0x44: {  	_ =	shalt  }
0x45: {  	_ =	shalt  }
0x46: {  	_ =	shalt  }
0x47: {  	_ =	shalt  }
0x48: {  	_ =	shalt  }
0x49: {  	_ =	shalt  }
0x4a: {  	_ =	shalt  }
0x4b: {  	_ =	shalt  }
0x4c: {  	_ =	shalt  }
0x4d: {  	_ =	shalt  }
0x4e: {  	_ =	shalt  }
0x4f: {  	_ =	shalt  }
0x50: {  	_ =	shalt  }
0x51: {  	_ =	shalt  }
0x52: {  	_ =	shalt  }
0x53: {  	_ =	shalt  }
0x54: {  	_ =	shalt  }
0x55: {  	_ =	shalt  }
0x56: {  	_ =	shalt  }
0x57: {  	_ =	shalt  }
0x58: {  	_ =	shalt  }
0x59: {  	_ =	shalt  }
0x5a: {  	_ =	shalt  }
0x5b: {  	_ =	shalt  }
0x5c: {  	_ =	shalt  }
0x5d: {  	_ =	shalt  }
0x5e: {  	_ =	shalt  }
0x5f: {  	_ =	shalt  }
0x60: {  	_ =	shalt  }
0x61: {  	_ =	shalt  }
0x62: {  	_ =	shalt  }
0x63: {  	_ =	shalt  }
0x64: {  	_ =	shalt  }
0x65: {  	_ =	shalt  }
0x66: {  	_ =	shalt  }
0x67: {  	_ =	shalt  }
0x68: {  	_ =	shalt  }
0x69: {  	_ =	shalt  }
0x6a: {  	_ =	shalt  }
0x6b: {  	_ =	shalt  }
0x6c: {  	_ =	shalt  }
0x6d: {  	_ =	shalt  }
0x6e: {  	_ =	shalt  }
0x6f: {  	_ =	shalt  }
0x70: {  	_ =	shalt  }
0x71: {  	_ =	shalt  }
0x72: {  	_ =	shalt  }
0x73: {  	_ =	shalt  }
0x74: {  	_ =	shalt  }
0x75: {  	_ =	shalt  }
0x76: {  	_ =	shalt  }
0x77: {  	_ =	shalt  }
0x78: {  	_ =	shalt  }
0x79: {  	_ =	shalt  }
0x7a: {  	_ =	shalt  }
0x7b: {  	_ =	shalt  }
0x7c: {  	_ =	shalt  }
0x7d: {  	_ =	shalt  }
0x7e: {  	_ =	shalt  }
0x7f: {  	_ =	shalt  }
0x80: {  	_ =	shalt  }
0x81: {  	_ =	shalt  }
0x82: {  	_ =	shalt  }
0x83: {  	_ =	shalt  }
0x84: {  	_ =	shalt  }
0x85: {  	_ =	shalt  }
0x86: {  	_ =	shalt  }
0x87: {  	_ =	shalt  }
.Lfunc_end0:
.L_simem_size_0:
called_computation.1_lowered:
.L_overlay_start_0:
0x88: {  	s2 =	sld [smem:$0x3FD9]  }
0x89: {  	s3 =	sld [smem:$0x3FFE];
	_ =	sdelay $0x1  }
0x8a: {  	s1 =	srdreg.scid  }
0x8b: {  	s0 =	sand.u32 $0x1, s1  }
0x8c: {  	s17 =	sshll.u32 s0, $0xA;
	s2 =	sadd.s32 s3, s2  }
0x8d: {  	s2 =	sadd.s32 s2, s17  }
0x8e: {  	[smem:$0x3FBE] =	sst s2  }
0x8f: {  	_ = 	snop  }
0x90: {  	s2 =	sld [smem:$0x3FD0];
	(tm) =	ssettm $0x1  }
0x91: {  	s18 =	sld [smem:$0x3FFB];
	_ =	sdelay $0x3  }
0x92: {  	_ =	strace s18  }
0x93: {  	s3 =	sld [smem:$0x3FFC];
	_ =	sdelay $0x3  }
0x94: {  	_ =	strace s3  }
0x95: {  	s3 =	sld [smem:$0x3FFD];
	_ =	sdelay $0x3  }
0x96: {  	_ =	strace s3  }
0x97: {  	_ =	strace $0x8FFFFFFF  }
0x98: {  	s19 =	sld [smem:$0x3FDB];
	_ =	sdelay $0x1  }
0x99: {  	s4 =	simm.s32 $_scs_section_size  }
0x9a: {  	s5 =	simm.s32 $_size__tile_overlayer_lowered;
	s6 =	simm.s32 $_tile_overlayer_lowered  }
0x9b: {  	s22 =	simm.s32 $0x1BFF;
	s21 =	sshll.u32 s6, $0x1;
	s3 =	sadd.s32 s4, s19  }
0x9c: {  	s7 =	simm.s32 $0x0;
	s20 =	sshll.u32 s5, $0x1;
	s5 =	sadd.s32 s21, s3  }
0x9d: {  	[timem:s7], [sflag:s22] =	dma.local [hbm:s5], s20  }
0x9e: {  	_ =	swait.ge [sflag:s22], s20  }
0x9f: {  	s4 =	ssub.s32 $0x0, s20;
	[sflag:s22] =	ssyncset.done $0x0  }
0xa0: {  	[sflag:s22] =	ssyncadd.s32 s4;
	_ =	sdelay $0x1  }
0xa1: {  	s23 =	simm.s32 $0x1B8B  }
0xa2: {  	_ =	swait.ge [sflag:s23], $0x1  }
0xa3: {  	[sflag:s23] =	ssyncset.done $0x0  }
0xa4: {  	s25 =	simm.s32 $0x1B8E;
	s24 =	sld [smem:$0x3FFE];
	[sflag:s23] =	ssyncadd.s32 $0xFFFFFFFF  }
0xa5: {  	s26 =	simm.s32 $execute0_lowered;
	[smem:$0x3FD2] =	sst s25  }
0xa6: {  	s5 =	sshll.u32 s26, $0x1;
	_ =	strace $0x80000049;
	[dreg:$0x1] =	wrdreg $0xFFFFFFFF  }
0xa7: {  	s28 =	simm.s32 $_size_execute0_lowered;
	s3 =	sadd.s32 s3, s5;
	[dreg:$0x0] =	wrdreg $0x0  }
0xa8: {  	s5 =	sshll.u32 s28, $0x1;
	[dreg:$0x2] =	wrdreg s3  }
0xa9: {  	[dreg:$0x3] =	wrdreg s5  }
0xaa: {  	[dreg:$0x4] =	wrdreg $0xC0  }
0xab: {  	_ =	task [dreg:s7], $0x5FFFF  }
0xac: {  	[dreg:$0x1] =	wrdreg $0xFFFFFFFF  }
0xad: {  	[dreg:$0x0] =	wrdreg $0x60  }
0xae: {  	[dreg:$0x2] =	wrdreg s24  }
0xaf: {  	[dreg:$0x3] =	wrdreg s2  }
0xb0: {  	[dreg:$0x4] =	wrdreg $0x9  }
0xb1: {  	_ =	task.clear_ibuf [dreg:s7], $0x5FFFF;
	_ =	strace $0x90000049  }
0xb2: {  	s29 =	simm.s32 $0x9;
	_ =	strace $0x8000004B  }
0xb3: {  	_ =	swait.ge [sflag:s29], $0x1  }
0xb4: {  	[sflag:s29] =	ssyncadd.s32 $0xFFFFFFFF  }
0xb5: {  	_ =	strace $0x9000004B  }
0xb6: {  	_ =	sfence  }
0xb7: {  	s30 =	sld [smem:$0x0];
	_ =	sdelay $0x2  }
0xb8: {  	s31 =	sshll.u32 s1, $0xD;
	s1 =	sshrl.u32 s1, $0x2  }
0xb9: {  	s3 =	sand.u32 $0x4000, s31;
	s1 =	sadd.s32 s1, s30  }
0xba: {  	s0 =	sor.u32 s3, s0;
	s1 =	sshll.u32 s1, $0x11  }
0xbb: {  	s0 =	sor.u32 s1, s0  }
0xbc: {  	s0 =	sadd.s32 $0x8F2B, s0  }
0xbd: {  	[sflag:s0] =	ssyncadd.remote.s32 $0x1  }
0xbe: {  	_ =	sfence.sel $0xFFFF  }
0xbf: {  	[dreg:$0x0] =	wrdreg $0xFFFFFFFF;
	(pc) =	sbr.abs _section_cstart, $3  }
0xc0: {  	[dreg:$0x1] =	wrdreg $0xFFFFFFFF  }
0xc1: {  	_ =	task.clear_ibuf [dreg:s7], $0x2FFFF;
	_ =	strace $0x9FFFFFFF  }
0xc2: {  	(tm) =	ssettm $0x7FFFFFFF  }
0xc3: {  	_ =	shalt  }
tec
execute0_lowered:
.L_overlay_start_1:
0x0: {  	(tag) =	ssettag $0x1  }
0x1: {  	s2 =	srdreg.scid;
	s1 =	rddreg [dreg:$0x0]  }
0x2: {  	s3 =	rddreg [dreg:$0x1];
	s4 =	sand.u32 $0x1, s2;
	s2 =	simm.s32 $0x0  }
0x3: {  	s23 =	simm.s32 $0x880;
	[smem:$0x7FF] =	sst s2  }
0x4: {  	s24 =	simm.s32 $0x1080;
	_ =	strace $0x8000004A;
	[dreg:$0x6] =	wrdreg s23  }
0x5: {  	s25 =	simm.s32 $0x1880;
	[dreg:$0x7] =	wrdreg s24  }
0x6: {  	s0 =	stileid.u32;
	s26 =	simm.s32 $0x2080;
	[dreg:$0x8] =	wrdreg s25  }
0x7: {  	s5 =	sshll.u32 s0, $0x5;
	s0 =	simm.s32 $0x2880;
	[dreg:$0x9] =	wrdreg s26  }
0x8: {  	s9 =	simm.s32 $0x5080;
	[dreg:$0xa] =	wrdreg s0  }
0x9: {  	s10 =	simm.s32 $0x5880;
	[dreg:$0xf] =	wrdreg s9  }
0xa: {  	s11 =	simm.s32 $0x6080;
	[dreg:$0x10] =	wrdreg s10  }
0xb: {  	s12 =	simm.s32 $0x6880;
	s13 =	simm.s32 $0x7080;
	[dreg:$0x11] =	wrdreg s11  }
0xc: {  	s14 =	simm.s32 $0x7880;
	s15 =	simm.s32 $0x8080;
	[dreg:$0x12] =	wrdreg s12  }
0xd: {  	s16 =	simm.s32 $0x8880;
	s17 =	simm.s32 $0x9080;
	[dreg:$0x13] =	wrdreg s13  }
0xe: {  	s18 =	simm.s32 $0x9880;
	s28 =	simm.s32 $0x16880;
	[dreg:$0x14] =	wrdreg s14  }
0xf: {  	s29 =	simm.s32 $0x17080;
	s30 =	simm.s32 $0x17880;
	[dreg:$0x15] =	wrdreg s15  }
0x10: {  	s31 =	simm.s32 $0x1;
	s8 =	sadd.s32 $0x92600, s1;
	[dreg:$0x16] =	wrdreg s16  }
0x11: {  	s6 =	sshll.u32 s4, $0x4;
	s4 =	ssub.s32 $0x2, s4;
	[dreg:$0x17] =	wrdreg s17  }
0x12: {  	s5 =	sor.u32 s6, s5;
	s19 =	sshrl.u32 s4, $0x1;
	[dreg:$0x18] =	wrdreg s18  }
0x13: {  	s23 =	simm.s32 $0xB880;
	s24 =	simm.s32 $0xC880;
	s25 =	simm.s32 $0xD080  }
0x14: {  	s26 =	simm.s32 $0xD880;
	s9 =	simm.s32 $0xC080;
	s11 =	simm.s32 $0xE880  }
0x15: {  	s12 =	simm.s32 $0xF080;
	s13 =	simm.s32 $0xF880;
	s14 =	simm.s32 $0x10080  }
0x16: {  	s15 =	simm.s32 $0x10880;
	s16 =	simm.s32 $0x11080;
	[dreg:$0x1c] =	wrdreg s23  }
0x17: {  	s17 =	simm.s32 $0x11880;
	s6 =	smul.u32 $0x1800, s5;
	[dreg:$0x1d] =	wrdreg s24  }
0x18: {  	s18 =	simm.s32 $0x12080;
	s7 =	smul.u32 $0x300, s5;
	[dreg:$0x1e] =	wrdreg s25  }
0x19: {  	s3 =	sadd.s32 s3, s5;
	[dreg:$0x1f] =	wrdreg s26;
	s23 =	simm.s32 $0x14880  }
0x1a: {  	s24 =	simm.s32 $0x15080;
	s25 =	simm.s32 $0x15880;
	s26 =	simm.s32 $0x16080  }
0x1b: {  	[dreg:$0x3] =	wrdreg s3;
	s3 =	sadd.s32 $0x2600, s1;
	s21 =	sadd.s32 s8, s7  }
0x1c: {  	s20 =	sshrl.u32 s6, $0x3;
	s6 =	simm.s32 $0x3880;
	[dreg:$0x4] =	wrdreg s21  }
0x1d: {  	s7 =	simm.s32 $0x4080;
	s5 =	sadd.s32 s8, s20;
	[dreg:$0xc] =	wrdreg s6  }
0x1e: {  	[dreg:$0xd] =	wrdreg s7;
	s8 =	simm.s32 $0x4880;
	s20 =	simm.s32 $0xA080  }
0x1f: {  	s6 =	ssub.s32 s4, s19;
	s21 =	simm.s32 $0xA880;
	s4 =	sadd.s32 $0x2700, s1  }
0x20: {  	s7 =	simm.s32 $0x3;
	s19 =	simm.s32 $0x12880;
	[dreg:$0xe] =	wrdreg s8  }
0x21: {  	s22 =	sadd.s32 $0x1800, s5;
	s5 =	simm.s32 $0x3080;
	[dreg:$0x19] =	wrdreg s20  }
0x22: {  	[dreg:$0x1a] =	wrdreg s21;
	s6 =	smax.u32 s6, $0x1;
	s8 =	simm.s32 $0x80  }
0x23: {  	v2 =	vlaneseq.u32;
	s20 =	simm.s32 $0x13080;
	s21 =	simm.s32 $0x13880;
	[dreg:$0x5] =	wrdreg s22  }
0x24: {  	vm0 =	vmmov $0xffff;
	v1 =	vshrl.u32 v2, $0x3;
	[dreg:$0xb] =	wrdreg s5;
	s22 =	simm.s32 $0xB080;
	s5 =	sadd.s32 $0x2800, s1  }
0x25: {  	v0 =	vand.u32 $0x7, v2;
	v2 =	vor.u32 $0x8, v2;
	v1 =	vmul.u32 $0x8, v1;
	s1 =	simm.s32 $0x2;
	[dreg:$0x1b] =	wrdreg s22;
	s22 =	simm.s32 $0x14080  }
.LBB2_1:
0x26: {  	s0 =	rddreg [dreg:$0x3]  }
0x27: {  	[tilespmem:s2], [sflag:$0x3] =	stream.linear.gather [hbm4b:s0+s2], $0x80, $0x38;
	[tilespmem:$0x18080] =	vst v63  }
0x28: {  	_ =	swait.ge [sflag:s7], $0x80  }
0x29: {  	[sflag:s7] =	ssyncset.done $0x0  }
0x2a: {  	[sflag:s7] =	ssyncadd.s32 $0xFFFFFF80  }
0x2b: {  	v3 =	vld [tilespmem:$0x0];
	_ =	sdelay $0x4  }
0x2c: {  	v4 =	vshrl.u32 v3, $0x3  }
0x2d: {  	v4 =	vmul.u32 $0x30, v4  }
0x2e: {  	v3 =	vand.u32 $0x7, v3  }
0x2f: {  	v3 =	vor.u32 v3, v4  }
0x30: {  	v4 =	vperm.xlane v3, v0;
	_ =	sdelay $0x1  }
0x31: {  	v4 =	vadd.s32 v1, v4;
	_ =	sdelay $0x3  }
0x32: {  	v3 =	vperm.xlane v3, v2  }
0x33: {  	[tilespmem:s8], [sflag:$0x1] =	stream.indirect_vreg.gather [hbm4b:s3+s2], $0x80, v4, vm0, $0xb8;
	[tilespmem:$0x18080] =	vst v63  }
0x34: {  	s0 =	rddreg [dreg:$0x6];
	v3 =	vadd.s32 v1, v3  }
0x35: {  	[tilespmem:s0], [sflag:$0x1] =	stream.indirect_vreg.gather [hbm4b:s4+s2], $0x80, v4, vm0, $0xb8;
	[tilespmem:$0x18080] =	vst v63  }
0x36: {  	s10 =	rddreg [dreg:$0x7]  }
0x37: {  	[tilespmem:s10], [sflag:$0x1] =	stream.indirect_vreg.gather [hbm4b:s5+s2], $0x80, v4, vm0, $0xb8;
	[tilespmem:$0x18080] =	vst v63  }
0x38: {  	s0 =	rddreg [dreg:$0x8]  }
0x39: {  	[tilespmem:s0], [sflag:$0x1] =	stream.indirect_vreg.gather [hbm4b:s3+s2], $0x80, v3, vm0, $0xb8;
	[tilespmem:$0x18080] =	vst v63  }
0x3a: {  	s10 =	rddreg [dreg:$0x9]  }
0x3b: {  	[tilespmem:s10], [sflag:$0x1] =	stream.indirect_vreg.gather [hbm4b:s4+s2], $0x80, v3, vm0, $0xb8;
	[tilespmem:$0x18080] =	vst v63  }
0x3c: {  	s0 =	rddreg [dreg:$0xa]  }
0x3d: {  	[tilespmem:s0], [sflag:$0x1] =	stream.indirect_vreg.gather [hbm4b:s5+s2], $0x80, v3, vm0, $0xb8;
	[tilespmem:$0x18080] =	vst v63  }
0x3e: {  	v3 =	vld [tilespmem:$0x10];
	_ =	sdelay $0x4  }
0x3f: {  	v57 =	vshrl.u32 v3, $0x3  }
0x40: {  	v4 =	vmul.u32 $0x30, v57  }
0x41: {  	v3 =	vand.u32 $0x7, v3  }
0x42: {  	v3 =	vor.u32 v3, v4  }
0x43: {  	v4 =	vperm.xlane v3, v0;
	_ =	sdelay $0x1  }
0x44: {  	v4 =	vadd.s32 v1, v4;
	_ =	sdelay $0x3  }
0x45: {  	s0 =	rddreg [dreg:$0xb];
	v3 =	vperm.xlane v3, v2  }
0x46: {  	[tilespmem:s0], [sflag:$0x1] =	stream.indirect_vreg.gather [hbm4b:s3+s2], $0x80, v4, vm0, $0xb8;
	[tilespmem:$0x18080] =	vst v63  }
0x47: {  	s10 =	rddreg [dreg:$0xc];
	v3 =	vadd.s32 v1, v3  }
0x48: {  	[tilespmem:s10], [sflag:$0x1] =	stream.indirect_vreg.gather [hbm4b:s4+s2], $0x80, v4, vm0, $0xb8;
	[tilespmem:$0x18080] =	vst v63  }
0x49: {  	s0 =	rddreg [dreg:$0xd]  }
0x4a: {  	[tilespmem:s0], [sflag:$0x1] =	stream.indirect_vreg.gather [hbm4b:s5+s2], $0x80, v4, vm0, $0xb8;
	[tilespmem:$0x18080] =	vst v63  }
0x4b: {  	s10 =	rddreg [dreg:$0xe]  }
0x4c: {  	[tilespmem:s10], [sflag:$0x1] =	stream.indirect_vreg.gather [hbm4b:s3+s2], $0x80, v3, vm0, $0xb8;
	[tilespmem:$0x18080] =	vst v63  }
0x4d: {  	s0 =	rddreg [dreg:$0xf]  }
0x4e: {  	[tilespmem:s0], [sflag:$0x1] =	stream.indirect_vreg.gather [hbm4b:s4+s2], $0x80, v3, vm0, $0xb8;
	[tilespmem:$0x18080] =	vst v63  }
0x4f: {  	s10 =	rddreg [dreg:$0x10]  }
0x50: {  	[tilespmem:s10], [sflag:$0x1] =	stream.indirect_vreg.gather [hbm4b:s5+s2], $0x80, v3, vm0, $0xb8;
	[tilespmem:$0x18080] =	vst v63  }
0x51: {  	v3 =	vld [tilespmem:$0x20];
	_ =	sdelay $0x4  }
0x52: {  	v58 =	vshrl.u32 v3, $0x3  }
0x53: {  	v4 =	vmul.u32 $0x30, v58  }
0x54: {  	v3 =	vand.u32 $0x7, v3  }
0x55: {  	v3 =	vor.u32 v3, v4  }
0x56: {  	v4 =	vperm.xlane v3, v0;
	_ =	sdelay $0x1  }
0x57: {  	v4 =	vadd.s32 v1, v4;
	_ =	sdelay $0x3  }
0x58: {  	s0 =	rddreg [dreg:$0x11];
	v3 =	vperm.xlane v3, v2  }
0x59: {  	[tilespmem:s0], [sflag:$0x1] =	stream.indirect_vreg.gather [hbm4b:s3+s2], $0x80, v4, vm0, $0xb8;
	[tilespmem:$0x18080] =	vst v63  }
0x5a: {  	s10 =	rddreg [dreg:$0x12];
	v3 =	vadd.s32 v1, v3  }
0x5b: {  	[tilespmem:s10], [sflag:$0x1] =	stream.indirect_vreg.gather [hbm4b:s4+s2], $0x80, v4, vm0, $0xb8;
	[tilespmem:$0x18080] =	vst v63  }
0x5c: {  	s0 =	rddreg [dreg:$0x13]  }
0x5d: {  	[tilespmem:s0], [sflag:$0x1] =	stream.indirect_vreg.gather [hbm4b:s5+s2], $0x80, v4, vm0, $0xb8;
	[tilespmem:$0x18080] =	vst v63  }
0x5e: {  	s10 =	rddreg [dreg:$0x14]  }
0x5f: {  	[tilespmem:s10], [sflag:$0x1] =	stream.indirect_vreg.gather [hbm4b:s3+s2], $0x80, v3, vm0, $0xb8;
	[tilespmem:$0x18080] =	vst v63  }
0x60: {  	s0 =	rddreg [dreg:$0x15]  }
0x61: {  	[tilespmem:s0], [sflag:$0x1] =	stream.indirect_vreg.gather [hbm4b:s4+s2], $0x80, v3, vm0, $0xb8;
	[tilespmem:$0x18080] =	vst v63  }
0x62: {  	s10 =	rddreg [dreg:$0x16]  }
0x63: {  	[tilespmem:s10], [sflag:$0x1] =	stream.indirect_vreg.gather [hbm4b:s5+s2], $0x80, v3, vm0, $0xb8;
	[tilespmem:$0x18080] =	vst v63  }
0x64: {  	v3 =	vld [tilespmem:$0x30];
	_ =	sdelay $0x4  }
0x65: {  	v59 =	vshrl.u32 v3, $0x3  }
0x66: {  	v4 =	vmul.u32 $0x30, v59  }
0x67: {  	v3 =	vand.u32 $0x7, v3  }
0x68: {  	v3 =	vor.u32 v3, v4  }
0x69: {  	v4 =	vperm.xlane v3, v0;
	_ =	sdelay $0x1  }
0x6a: {  	v4 =	vadd.s32 v1, v4;
	_ =	sdelay $0x3  }
0x6b: {  	s0 =	rddreg [dreg:$0x17];
	v3 =	vperm.xlane v3, v2  }
0x6c: {  	[tilespmem:s0], [sflag:$0x1] =	stream.indirect_vreg.gather [hbm4b:s3+s2], $0x80, v4, vm0, $0xb8;
	[tilespmem:$0x18080] =	vst v63  }
0x6d: {  	s10 =	rddreg [dreg:$0x18];
	v3 =	vadd.s32 v1, v3  }
0x6e: {  	[tilespmem:s10], [sflag:$0x1] =	stream.indirect_vreg.gather [hbm4b:s4+s2], $0x80, v4, vm0, $0xb8;
	[tilespmem:$0x18080] =	vst v63  }
0x6f: {  	s0 =	rddreg [dreg:$0x19]  }
0x70: {  	[tilespmem:s0], [sflag:$0x1] =	stream.indirect_vreg.gather [hbm4b:s5+s2], $0x80, v4, vm0, $0xb8;
	[tilespmem:$0x18080] =	vst v63  }
0x71: {  	s10 =	rddreg [dreg:$0x1a]  }
0x72: {  	[tilespmem:s10], [sflag:$0x1] =	stream.indirect_vreg.gather [hbm4b:s3+s2], $0x80, v3, vm0, $0xb8;
	[tilespmem:$0x18080] =	vst v63  }
0x73: {  	s0 =	rddreg [dreg:$0x1b]  }
0x74: {  	[tilespmem:s0], [sflag:$0x1] =	stream.indirect_vreg.gather [hbm4b:s4+s2], $0x80, v3, vm0, $0xb8;
	[tilespmem:$0x18080] =	vst v63  }
0x75: {  	s10 =	rddreg [dreg:$0x1c]  }
0x76: {  	[tilespmem:s10], [sflag:$0x1] =	stream.indirect_vreg.gather [hbm4b:s5+s2], $0x80, v3, vm0, $0xb8;
	[tilespmem:$0x18080] =	vst v63  }
0x77: {  	v3 =	vld [tilespmem:$0x40];
	_ =	sdelay $0x4  }
0x78: {  	v60 =	vshrl.u32 v3, $0x3  }
0x79: {  	v4 =	vmul.u32 $0x30, v60  }
0x7a: {  	v3 =	vand.u32 $0x7, v3  }
0x7b: {  	v3 =	vor.u32 v3, v4  }
0x7c: {  	v4 =	vperm.xlane v3, v0;
	_ =	sdelay $0x1  }
0x7d: {  	v4 =	vadd.s32 v1, v4;
	_ =	sdelay $0x3  }
0x7e: {  	v3 =	vperm.xlane v3, v2  }
0x7f: {  	[tilespmem:s9], [sflag:$0x2] =	stream.indirect_vreg.gather [hbm4b:s3+s2], $0x80, v4, vm0, $0xb8;
	[tilespmem:$0x18080] =	vst v63  }
0x80: {  	s0 =	rddreg [dreg:$0x1d];
	v3 =	vadd.s32 v1, v3  }
0x81: {  	[tilespmem:s0], [sflag:$0x2] =	stream.indirect_vreg.gather [hbm4b:s4+s2], $0x80, v4, vm0, $0xb8;
	[tilespmem:$0x18080] =	vst v63  }
0x82: {  	s10 =	rddreg [dreg:$0x1e]  }
0x83: {  	[tilespmem:s10], [sflag:$0x2] =	stream.indirect_vreg.gather [hbm4b:s5+s2], $0x80, v4, vm0, $0xb8;
	[tilespmem:$0x18080] =	vst v63  }
0x84: {  	s0 =	rddreg [dreg:$0x1f]  }
0x85: {  	[tilespmem:s0], [sflag:$0x2] =	stream.indirect_vreg.gather [hbm4b:s3+s2], $0x80, v3, vm0, $0xb8;
	[tilespmem:$0x18080] =	vst v63  }
0x86: {  	s10 =	simm.s32 $0xE080  }
0x87: {  	[tilespmem:s10], [sflag:$0x2] =	stream.indirect_vreg.gather [hbm4b:s4+s2], $0x80, v3, vm0, $0xb8;
	[tilespmem:$0x18080] =	vst v63  }
0x88: {  	_ = 	snop  }
0x89: {  	[tilespmem:s11], [sflag:$0x2] =	stream.indirect_vreg.gather [hbm4b:s5+s2], $0x80, v3, vm0, $0xb8;
	[tilespmem:$0x18080] =	vst v63  }
0x8a: {  	v3 =	vld [tilespmem:$0x50];
	_ =	sdelay $0x4  }
0x8b: {  	v61 =	vshrl.u32 v3, $0x3  }
0x8c: {  	v4 =	vmul.u32 $0x30, v61  }
0x8d: {  	v3 =	vand.u32 $0x7, v3  }
0x8e: {  	v3 =	vor.u32 v3, v4  }
0x8f: {  	v4 =	vperm.xlane v3, v0;
	_ =	sdelay $0x1  }
0x90: {  	v4 =	vadd.s32 v1, v4;
	_ =	sdelay $0x3  }
0x91: {  	v3 =	vperm.xlane v3, v2  }
0x92: {  	[tilespmem:s12], [sflag:$0x2] =	stream.indirect_vreg.gather [hbm4b:s3+s2], $0x80, v4, vm0, $0xb8;
	[tilespmem:$0x18080] =	vst v63  }
0x93: {  	v3 =	vadd.s32 v1, v3  }
0x94: {  	[tilespmem:s13], [sflag:$0x2] =	stream.indirect_vreg.gather [hbm4b:s4+s2], $0x80, v4, vm0, $0xb8;
	[tilespmem:$0x18080] =	vst v63  }
0x95: {  	_ = 	snop  }
0x96: {  	[tilespmem:s14], [sflag:$0x2] =	stream.indirect_vreg.gather [hbm4b:s5+s2], $0x80, v4, vm0, $0xb8;
	[tilespmem:$0x18080] =	vst v63  }
0x97: {  	_ = 	snop  }
0x98: {  	[tilespmem:s15], [sflag:$0x2] =	stream.indirect_vreg.gather [hbm4b:s3+s2], $0x80, v3, vm0, $0xb8;
	[tilespmem:$0x18080] =	vst v63  }
0x99: {  	_ = 	snop  }
0x9a: {  	[tilespmem:s16], [sflag:$0x2] =	stream.indirect_vreg.gather [hbm4b:s4+s2], $0x80, v3, vm0, $0xb8;
	[tilespmem:$0x18080] =	vst v63  }
0x9b: {  	_ = 	snop  }
0x9c: {  	[tilespmem:s17], [sflag:$0x2] =	stream.indirect_vreg.gather [hbm4b:s5+s2], $0x80, v3, vm0, $0xb8;
	[tilespmem:$0x18080] =	vst v63  }
0x9d: {  	v3 =	vld [tilespmem:$0x60];
	_ =	sdelay $0x4  }
0x9e: {  	v62 =	vshrl.u32 v3, $0x3  }
0x9f: {  	v4 =	vmul.u32 $0x30, v62  }
0xa0: {  	v3 =	vand.u32 $0x7, v3  }
0xa1: {  	v3 =	vor.u32 v3, v4  }
0xa2: {  	v4 =	vperm.xlane v3, v0;
	_ =	sdelay $0x1  }
0xa3: {  	v4 =	vadd.s32 v1, v4;
	_ =	sdelay $0x3  }
0xa4: {  	v3 =	vperm.xlane v3, v2  }
0xa5: {  	[tilespmem:s18], [sflag:$0x2] =	stream.indirect_vreg.gather [hbm4b:s3+s2], $0x80, v4, vm0, $0xb8;
	[tilespmem:$0x18080] =	vst v63  }
0xa6: {  	v3 =	vadd.s32 v1, v3  }
0xa7: {  	[tilespmem:s19], [sflag:$0x2] =	stream.indirect_vreg.gather [hbm4b:s4+s2], $0x80, v4, vm0, $0xb8;
	[tilespmem:$0x18080] =	vst v63  }
0xa8: {  	_ = 	snop  }
0xa9: {  	[tilespmem:s20], [sflag:$0x2] =	stream.indirect_vreg.gather [hbm4b:s5+s2], $0x80, v4, vm0, $0xb8;
	[tilespmem:$0x18080] =	vst v63  }
0xaa: {  	_ = 	snop  }
0xab: {  	[tilespmem:s21], [sflag:$0x2] =	stream.indirect_vreg.gather [hbm4b:s3+s2], $0x80, v3, vm0, $0xb8;
	[tilespmem:$0x18080] =	vst v63  }
0xac: {  	_ = 	snop  }
0xad: {  	[tilespmem:s22], [sflag:$0x2] =	stream.indirect_vreg.gather [hbm4b:s4+s2], $0x80, v3, vm0, $0xb8;
	[tilespmem:$0x18080] =	vst v63  }
0xae: {  	_ = 	snop  }
0xaf: {  	[tilespmem:s23], [sflag:$0x2] =	stream.indirect_vreg.gather [hbm4b:s5+s2], $0x80, v3, vm0, $0xb8;
	[tilespmem:$0x18080] =	vst v63  }
0xb0: {  	v3 =	vld [tilespmem:$0x70];
	_ =	sdelay $0x4  }
0xb1: {  	v63 =	vshrl.u32 v3, $0x3  }
0xb2: {  	v4 =	vmul.u32 $0x30, v63  }
0xb3: {  	v3 =	vand.u32 $0x7, v3  }
0xb4: {  	v3 =	vor.u32 v3, v4  }
0xb5: {  	v4 =	vperm.xlane v3, v0;
	_ =	sdelay $0x1  }
0xb6: {  	v4 =	vadd.s32 v1, v4;
	_ =	sdelay $0x3  }
0xb7: {  	v3 =	vperm.xlane v3, v2  }
0xb8: {  	[tilespmem:s24], [sflag:$0x2] =	stream.indirect_vreg.gather [hbm4b:s3+s2], $0x80, v4, vm0, $0xb8;
	[tilespmem:$0x18080] =	vst v63  }
0xb9: {  	v3 =	vadd.s32 v1, v3  }
0xba: {  	[tilespmem:s25], [sflag:$0x2] =	stream.indirect_vreg.gather [hbm4b:s4+s2], $0x80, v4, vm0, $0xb8;
	[tilespmem:$0x18080] =	vst v63  }
0xbb: {  	_ = 	snop  }
0xbc: {  	[tilespmem:s26], [sflag:$0x2] =	stream.indirect_vreg.gather [hbm4b:s5+s2], $0x80, v4, vm0, $0xb8;
	[tilespmem:$0x18080] =	vst v63  }
0xbd: {  	_ = 	snop  }
0xbe: {  	[tilespmem:s28], [sflag:$0x2] =	stream.indirect_vreg.gather [hbm4b:s3+s2], $0x80, v3, vm0, $0xb8;
	[tilespmem:$0x18080] =	vst v63  }
0xbf: {  	_ = 	snop  }
0xc0: {  	[tilespmem:s29], [sflag:$0x2] =	stream.indirect_vreg.gather [hbm4b:s4+s2], $0x80, v3, vm0, $0xb8;
	[tilespmem:$0x18080] =	vst v63  }
0xc1: {  	_ = 	snop  }
0xc2: {  	[tilespmem:s30], [sflag:$0x2] =	stream.indirect_vreg.gather [hbm4b:s5+s2], $0x80, v3, vm0, $0xb8;
	[tilespmem:$0x18080] =	vst v63  }
0xc3: {  	_ =	swait.ge [sflag:s31], $0xC000  }
0xc4: {  	[sflag:s31] =	ssyncset.done $0x0  }
0xc5: {  	s10 =	rddreg [dreg:$0x4];
	[sflag:s31] =	ssyncadd.s32 $0xFFFF4000  }
0xc6: {  	[hbm4b:s10+s2] =	stream.linear.scatter [tilespmem:s8], [sflag:$0x3], $0xC000, $0x38;
	[tilespmem:$0x18080] =	vst v63  }
0xc7: {  	_ =	swait.ge [sflag:s7], $0xC000  }
0xc8: {  	[sflag:s7] =	ssyncset.done $0x0  }
0xc9: {  	[sflag:s7] =	ssyncadd.s32 $0xFFFF4000  }
0xca: {  	_ =	swait.ge [sflag:s1], $0xC000  }
0xcb: {  	p0 =	sne.s32 s6, $0x1;
	[sflag:s1] =	ssyncset.done $0x0  }
.Ltmp0:
0xcc: {  	s10 =	rddreg [dreg:$0x5];
	[sflag:s1] =	ssyncadd.s32 $0xFFFF4000;
	(pc) =	sbr.rel @p0 .LBB2_1-.Ltmp0, $4  }
0xcd: {  	[hbm4b:s10+s2] =	stream.linear.scatter [tilespmem:s9], [sflag:$0x3], $0xC000, $0x38;
	[tilespmem:$0x18080] =	vst v63  }
0xce: {  	_ =	swait.ge [sflag:s7], $0xC000  }
0xcf: {  	[sflag:s7] =	ssyncset.done $0x0  }
0xd0: {  	s6 =	sadd.s32 $0xFFFFFFFF, s6;
	[sflag:s7] =	ssyncadd.s32 $0xFFFF4000  }
0xd1: {  	_ =	sfence.sel $0x180000  }
0xd2: {  	[bflag:$0x0] =	sbarrier.arrive $0xFFFF  }
0xd3: {  	_ =	strace $0x9000004A  }
0xd4: {  	s0 =	stileid.u32;
	[bflag:$0x2] =	sbarrier.arrive $0xFFFF  }
0xd5: {  	p0 =	sne.s32 s0, $0x0;
	s0 =	rddreg [dreg:$0x2]  }
0xd6: {  	s0 =	sadd.s32 @!p0 $0x100000, s0  }
0xd7: {  	[sflag:s0] =	ssyncadd.tile.s32 @!p0 $0x1;
	_ =	shalt  }
.Lfunc_end2:
_tile_overlayer_lowered:
.L_overlay_start_2:
0xd8: {  	(tag) =	ssettag $0x2  }
0xd9: {  	s0 =	rddreg [dreg:$0x0];
	s2 =	stileid.u32  }
0xda: {  	s1 =	rddreg [dreg:$0x1];
	p0 =	sne.s32 s2, $0x0  }
0xdb: {  	s3 =	rddreg [dreg:$0x2];
	[bflag:$0x3] =	sbarrier.arrive $0xFFFF;
	s2 =	simm.s32 @!p0 $0x1C03  }
0xdc: {  	[timem:s3], [sflag:s2] =	dma.local @!p0 [hbm:s0], s1  }
0xdd: {  	s0 =	simm.s32 @!p0 $0x3  }
0xde: {  	_ =	swait.ge @!p0 [sflag:s0], s1  }
0xdf: {  	s1 =	ssub.s32 @!p0 $0x0, s1;
	[sflag:s0] =	ssyncset.done @!p0 $0x0  }
0xe0: {  	[sflag:s0] =	ssyncadd.s32 @!p0 s1  }
0xe1: {  	[bflag:$0x3] =	sbarrier.arrive $0xFFFF  }
0xe2: {  	_ =	shalt  }

</sc_bundles>
